<compile_context>
chip_gen: v7x
topology: tpu7x:2x2x1
jax: 0.10.2.dev20260603
libtpu: 0.0.44.dev20260713+nightly
codegen_flags: <defaults>
</compile_context>

<pallas_src>
import functools

import jax
import jax.numpy as jnp
from jax import lax
from jax.experimental import pallas as pl
from jax.experimental.pallas import tpu as pltpu
from jax.experimental.pallas import tpu_sc as plsc

B, D = 8192, 4096
L = 16

_info = plsc.get_sparse_core_info()
NC, NS = _info.num_cores, _info.num_subcores
NW = NC * NS
ROWS_PER_W = B // NW
R = 2
NBUF = 4
NCHUNKS = ROWS_PER_W // R
NJ = D // L

_mesh = plsc.VectorSubcoreMesh(core_axis_name="c", subcore_axis_name="s")

_scratch = (
    [pltpu.VMEM((D,), jnp.int32)]
    + [pltpu.VMEM((R, D), jnp.float32) for _ in range(2 * NBUF)]
    + [pltpu.SemaphoreType.DMA for _ in range(2 * NBUF)]
)


@functools.partial(
    pl.kernel,
    out_type=jax.ShapeDtypeStruct((B, D), jnp.float32),
    mesh=_mesh,
    scratch_types=_scratch,
    compiler_params=pltpu.CompilerParams(needs_layout_passes=False),
)
def _shuffle_sc(x_hbm, idx_hbm, out_hbm, idx_v, *bufs_and_sems):
    ins = list(bufs_and_sems[:NBUF])
    outs = list(bufs_and_sems[NBUF:2 * NBUF])
    sins = list(bufs_and_sems[2 * NBUF:3 * NBUF])
    souts = list(bufs_and_sems[3 * NBUF:4 * NBUF])

    wid = lax.axis_index("s") * NC + lax.axis_index("c")
    base = wid * ROWS_PER_W
    rowvecs = [jnp.full((L,), r, jnp.int32) for r in range(R)]

    def in_copy(g, s):
        return pltpu.make_async_copy(
            x_hbm.at[pl.ds(base + g * R, R)], ins[s], sins[s])

    def out_copy(g, s):
        return pltpu.make_async_copy(
            outs[s], out_hbm.at[pl.ds(base + g * R, R)], souts[s])

    def compute(s):
        src, dst = ins[s], outs[s]

        @plsc.parallel_loop(0, NJ, 1, unroll=2)
        def col_body(j):
            off = j * L
            idxvec = idx_v[pl.ds(off, L)]
            for r in range(R):
                dst[r, pl.ds(off, L)] = plsc.load_gather(
                    src, [rowvecs[r], idxvec])

    pltpu.sync_copy(idx_hbm, idx_v)

    for s in range(NBUF):
        in_copy(s, s).start()
    for g in range(NBUF):
        in_copy(g, g).wait()
        compute(g)
        out_copy(g, g).start()
        in_copy(g + NBUF, g).start()

    def ring_body(p, c):
        for s in range(NBUF):
            g = NBUF * p + s
            in_copy(g, s).wait()
            out_copy(g - NBUF, s).wait()
            compute(s)
            out_copy(g, s).start()
            in_copy(g + NBUF, s).start()
        return c

    lax.fori_loop(1, NCHUNKS // NBUF - 1, ring_body, 0)

    for s in range(NBUF):
        g = NCHUNKS - NBUF + s
        in_copy(g, s).wait()
        out_copy(g - NBUF, s).wait()
        compute(s)
        out_copy(g, s).start()
    for s in range(NBUF):
        out_copy(NCHUNKS - NBUF + s, s).wait()


def kernel(x, previous_loss, indices):
    x_shuffled = _shuffle_sc(x, indices)
    return (x_shuffled, previous_loss)

# --- scband reference (transcript-rebuilt; emitter-appended) ---
"""Pipeline reference for scband-shuffle-51866025066808 (READ-ONLY COPY).

The authoritative reference and input builder live on the scoring server;
editing this copy changes nothing except your own understanding.
"""

import jax, jax.numpy as jnp
import numpy as np


def _make_derangement(D, seed=0):
    rng = np.random.RandomState(seed)
    indices = np.arange(D)
    while (indices == np.arange(D)).astype(int).sum().astype(bool):
        rng.shuffle(indices)
    return indices


def setup_inputs(seed: int = 0) -> dict:
    key = jax.random.key(seed)
    B, D = 8192, 4096
    x = jax.random.normal(key, (B, D), dtype=jnp.float32)
    previous_loss = jnp.zeros((1,), dtype=jnp.float32)
    indices = jnp.asarray(_make_derangement(D), dtype=jnp.int32)
    return {"x": x, "previous_loss": previous_loss, "indices": indices}


def reference(x, previous_loss, indices):
    # Shuffle.to_embedding with self.shuffled == False (first call):
    # applies the forward permutation along the feature dimension.
    x_shuffled = jnp.take(x, indices, axis=1)
    return (x_shuffled, previous_loss)

if __name__ == "__main__":
    import jax
    _d = setup_inputs()
    print(jax.jit(kernel)(*tuple(_d.values())))

</pallas_src>

<mosaic_0001>
#map = affine_map<(d0, d1) -> (0, 0)>
#map1 = affine_map<(d0, d1) -> (0)>
module attributes {stable_mosaic.version = 14 : i64} {
  func.func @_shuffle_sc(%arg0: i32, %arg1: i32, %arg2: memref<8192x4096xf32, #tpu.memory_space<hbm>>, %arg3: memref<4096xi32, #tpu.memory_space<hbm>>, %arg4: memref<8192x4096xf32, #tpu.memory_space<hbm>>, %arg5: memref<4096xi32, #tpu.memory_space<vmem>>, %arg6: memref<2x4096xf32, #tpu.memory_space<vmem>>, %arg7: memref<2x4096xf32, #tpu.memory_space<vmem>>, %arg8: memref<2x4096xf32, #tpu.memory_space<vmem>>, %arg9: memref<2x4096xf32, #tpu.memory_space<vmem>>, %arg10: memref<2x4096xf32, #tpu.memory_space<vmem>>, %arg11: memref<2x4096xf32, #tpu.memory_space<vmem>>, %arg12: memref<2x4096xf32, #tpu.memory_space<vmem>>, %arg13: memref<2x4096xf32, #tpu.memory_space<vmem>>, %arg14: memref<!tpu.dma_semaphore, #tpu.memory_space<semaphore_mem>>, %arg15: memref<!tpu.dma_semaphore, #tpu.memory_space<semaphore_mem>>, %arg16: memref<!tpu.dma_semaphore, #tpu.memory_space<semaphore_mem>>, %arg17: memref<!tpu.dma_semaphore, #tpu.memory_space<semaphore_mem>>, %arg18: memref<!tpu.dma_semaphore, #tpu.memory_space<semaphore_mem>>, %arg19: memref<!tpu.dma_semaphore, #tpu.memory_space<semaphore_mem>>, %arg20: memref<!tpu.dma_semaphore, #tpu.memory_space<semaphore_mem>>, %arg21: memref<!tpu.dma_semaphore, #tpu.memory_space<semaphore_mem>>) attributes {dimension_semantics = [#tpu.dimension_semantics<core_parallel>, #tpu.dimension_semantics<subcore_parallel>], iteration_bounds = array<i64: 2, 16>, scalar_prefetch = 0 : i64, scratch_operands = 17 : i64, tpu.core_type = #tpu.core_type<sc_vector_subcore>, window_params = [{transform_indices = #map}, {transform_indices = #map1}, {transform_indices = #map}]} {
    %mul3A = arith.constant 2 : i32
    %mul3A_0 = arith.muli %arg1, %mul3A : i32
    %add3A = arith.addi %mul3A_0, %arg0 : i32
    %mul3A_1 = arith.constant 256 : i32
    %mul3A_2 = arith.muli %add3A, %mul3A_1 : i32
    %broadcast_in_dim3A = arith.constant 0 : i32
    %broadcast_in_dim3A_3 = vector.broadcast %broadcast_in_dim3A : i32 to vector<16xi32>
    %broadcast_in_dim3A_4 = arith.constant 1 : i32
    %broadcast_in_dim3A_5 = vector.broadcast %broadcast_in_dim3A_4 : i32 to vector<16xi32>
    "tpu.region"() ({
      %run_scoped3A = tpu.sem_alloc : memref<!tpu.dma_semaphore, #tpu.memory_space<semaphore_mem>>
      tpu.enqueue_dma source(%arg3 : memref<4096xi32, #tpu.memory_space<hbm>>) target(%arg5 : memref<4096xi32, #tpu.memory_space<vmem>>) target_semaphore(%run_scoped3A : memref<!tpu.dma_semaphore, #tpu.memory_space<semaphore_mem>>)
      tpu.wait_dma2 semaphore(%run_scoped3A : memref<!tpu.dma_semaphore, #tpu.memory_space<semaphore_mem>>) src(%arg3 : memref<4096xi32, #tpu.memory_space<hbm>>) dst(%arg5 : memref<4096xi32, #tpu.memory_space<vmem>>)
      tpu.yield
    }) : () -> ()
    %add3A_6 = arith.constant 0 : i32
    %add3A_7 = arith.addi %mul3A_2, %add3A_6 : i32
    %dma_start3A = arith.constant 0 : i32
    %dma_start3A_8 = tpu.memref_slice %arg2[%add3A_7, %dma_start3A] : memref<8192x4096xf32, #tpu.memory_space<hbm>> -> memref<2x4096xf32, #tpu.memory_space<hbm>>
    %dma_start3A_9 = arith.constant 0 : i32
    %dma_start3A_10 = tpu.memref_slice %arg2[%add3A_7, %dma_start3A_9] : memref<8192x4096xf32, #tpu.memory_space<hbm>> -> memref<2x4096xf32, #tpu.memory_space<hbm>>
    tpu.enqueue_dma source(%dma_start3A_10 : memref<2x4096xf32, #tpu.memory_space<hbm>>) target(%arg6 : memref<2x4096xf32, #tpu.memory_space<vmem>>) target_semaphore(%arg14 : memref<!tpu.dma_semaphore, #tpu.memory_space<semaphore_mem>>)
    %add3A_11 = arith.constant 2 : i32
    %add3A_12 = arith.addi %mul3A_2, %add3A_11 : i32
    %dma_start3A_13 = arith.constant 0 : i32
    %dma_start3A_14 = tpu.memref_slice %arg2[%add3A_12, %dma_start3A_13] : memref<8192x4096xf32, #tpu.memory_space<hbm>> -> memref<2x4096xf32, #tpu.memory_space<hbm>>
    %dma_start3A_15 = arith.constant 0 : i32
    %dma_start3A_16 = tpu.memref_slice %arg2[%add3A_12, %dma_start3A_15] : memref<8192x4096xf32, #tpu.memory_space<hbm>> -> memref<2x4096xf32, #tpu.memory_space<hbm>>
    tpu.enqueue_dma source(%dma_start3A_16 : memref<2x4096xf32, #tpu.memory_space<hbm>>) target(%arg7 : memref<2x4096xf32, #tpu.memory_space<vmem>>) target_semaphore(%arg15 : memref<!tpu.dma_semaphore, #tpu.memory_space<semaphore_mem>>)
    %add3A_17 = arith.constant 4 : i32
    %add3A_18 = arith.addi %mul3A_2, %add3A_17 : i32
    %dma_start3A_19 = arith.constant 0 : i32
    %dma_start3A_20 = tpu.memref_slice %arg2[%add3A_18, %dma_start3A_19] : memref<8192x4096xf32, #tpu.memory_space<hbm>> -> memref<2x4096xf32, #tpu.memory_space<hbm>>
    %dma_start3A_21 = arith.constant 0 : i32
    %dma_start3A_22 = tpu.memref_slice %arg2[%add3A_18, %dma_start3A_21] : memref<8192x4096xf32, #tpu.memory_space<hbm>> -> memref<2x4096xf32, #tpu.memory_space<hbm>>
    tpu.enqueue_dma source(%dma_start3A_22 : memref<2x4096xf32, #tpu.memory_space<hbm>>) target(%arg8 : memref<2x4096xf32, #tpu.memory_space<vmem>>) target_semaphore(%arg16 : memref<!tpu.dma_semaphore, #tpu.memory_space<semaphore_mem>>)
    %add3A_23 = arith.constant 6 : i32
    %add3A_24 = arith.addi %mul3A_2, %add3A_23 : i32
    %dma_start3A_25 = arith.constant 0 : i32
    %dma_start3A_26 = tpu.memref_slice %arg2[%add3A_24, %dma_start3A_25] : memref<8192x4096xf32, #tpu.memory_space<hbm>> -> memref<2x4096xf32, #tpu.memory_space<hbm>>
    %dma_start3A_27 = arith.constant 0 : i32
    %dma_start3A_28 = tpu.memref_slice %arg2[%add3A_24, %dma_start3A_27] : memref<8192x4096xf32, #tpu.memory_space<hbm>> -> memref<2x4096xf32, #tpu.memory_space<hbm>>
    tpu.enqueue_dma source(%dma_start3A_28 : memref<2x4096xf32, #tpu.memory_space<hbm>>) target(%arg9 : memref<2x4096xf32, #tpu.memory_space<vmem>>) target_semaphore(%arg17 : memref<!tpu.dma_semaphore, #tpu.memory_space<semaphore_mem>>)
    %add3A_29 = arith.constant 0 : i32
    %add3A_30 = arith.addi %mul3A_2, %add3A_29 : i32
    %dma_wait3A = arith.constant 0 : i32
    %dma_wait3A_31 = tpu.memref_slice %arg2[%add3A_30, %dma_wait3A] : memref<8192x4096xf32, #tpu.memory_space<hbm>> -> memref<2x4096xf32, #tpu.memory_space<hbm>>
    %dma_wait3A_32 = arith.constant 0 : i32
    %dma_wait3A_33 = tpu.memref_slice %arg2[%add3A_30, %dma_wait3A_32] : memref<8192x4096xf32, #tpu.memory_space<hbm>> -> memref<2x4096xf32, #tpu.memory_space<hbm>>
    tpu.wait_dma2 semaphore(%arg14 : memref<!tpu.dma_semaphore, #tpu.memory_space<semaphore_mem>>) src(%dma_wait3A_33 : memref<2x4096xf32, #tpu.memory_space<hbm>>) dst(%arg6 : memref<2x4096xf32, #tpu.memory_space<vmem>>)
    %parallel_loop3A = arith.constant 0 : i32
    %parallel_loop3A_34 = arith.constant 256 : i32
    %parallel_loop3A_35 = arith.constant 1 : i32
    scf.for %parallel_loop3A_224 = %parallel_loop3A to %parallel_loop3A_34 step %parallel_loop3A_35  : i32 {
      %parallel_loop3A_225 = arith.constant 16 : i32
      %parallel_loop3A_226 = arith.muli %parallel_loop3A_224, %parallel_loop3A_225 : i32
      %parallel_loop3A_227 = arith.index_cast %parallel_loop3A_226 : i32 to index
      %parallel_loop3A_228 = tpu.vector_load %arg5[%parallel_loop3A_227] {strides = array<i32>} : memref<4096xi32, #tpu.memory_space<vmem>>, vector<16xi32>,
      %parallel_loop3A_229 = tpu.vector_load_idx %arg6[%broadcast_in_dim3A_3, %parallel_loop3A_228] : memref<2x4096xf32, #tpu.memory_space<vmem>>[vector<16xi32>, vector<16xi32>], vector<16xf32>,
      %parallel_loop3A_230 = arith.constant 0 : i32
      %parallel_loop3A_231 = arith.index_cast %parallel_loop3A_230 : i32 to index
      %parallel_loop3A_232 = arith.index_cast %parallel_loop3A_226 : i32 to index
      %parallel_loop3A_233 = tpu.vector_load %arg10[%parallel_loop3A_231, %parallel_loop3A_232] {strides = array<i32>} : memref<2x4096xf32, #tpu.memory_space<vmem>>, vector<16xf32>,
      tpu.vector_store %arg10[%parallel_loop3A_231, %parallel_loop3A_232], %parallel_loop3A_229 {strides = array<i32>} : memref<2x4096xf32, #tpu.memory_space<vmem>>, vector<16xf32>,
      %parallel_loop3A_234 = tpu.vector_load_idx %arg6[%broadcast_in_dim3A_5, %parallel_loop3A_228] : memref<2x4096xf32, #tpu.memory_space<vmem>>[vector<16xi32>, vector<16xi32>], vector<16xf32>,
      %parallel_loop3A_235 = arith.constant 1 : i32
      %parallel_loop3A_236 = arith.index_cast %parallel_loop3A_235 : i32 to index
      %parallel_loop3A_237 = arith.index_cast %parallel_loop3A_226 : i32 to index
      %parallel_loop3A_238 = tpu.vector_load %arg10[%parallel_loop3A_236, %parallel_loop3A_237] {strides = array<i32>} : memref<2x4096xf32, #tpu.memory_space<vmem>>, vector<16xf32>,
      tpu.vector_store %arg10[%parallel_loop3A_236, %parallel_loop3A_237], %parallel_loop3A_234 {strides = array<i32>} : memref<2x4096xf32, #tpu.memory_space<vmem>>, vector<16xf32>,
    } {sc.loop_unroll_factor = 2 : i64, sc.parallel_access}
    %add3A_36 = arith.constant 0 : i32
    %add3A_37 = arith.addi %mul3A_2, %add3A_36 : i32
    %dma_start3A_38 = arith.constant 0 : i32
    %dma_start3A_39 = tpu.memref_slice %arg4[%add3A_37, %dma_start3A_38] : memref<8192x4096xf32, #tpu.memory_space<hbm>> -> memref<2x4096xf32, #tpu.memory_space<hbm>>
    %dma_start3A_40 = arith.constant 0 : i32
    %dma_start3A_41 = tpu.memref_slice %arg4[%add3A_37, %dma_start3A_40] : memref<8192x4096xf32, #tpu.memory_space<hbm>> -> memref<2x4096xf32, #tpu.memory_space<hbm>>
    tpu.enqueue_dma source(%arg10 : memref<2x4096xf32, #tpu.memory_space<vmem>>) target(%dma_start3A_41 : memref<2x4096xf32, #tpu.memory_space<hbm>>) target_semaphore(%arg18 : memref<!tpu.dma_semaphore, #tpu.memory_space<semaphore_mem>>)
    %add3A_42 = arith.constant 8 : i32
    %add3A_43 = arith.addi %mul3A_2, %add3A_42 : i32
    %dma_start3A_44 = arith.constant 0 : i32
    %dma_start3A_45 = tpu.memref_slice %arg2[%add3A_43, %dma_start3A_44] : memref<8192x4096xf32, #tpu.memory_space<hbm>> -> memref<2x4096xf32, #tpu.memory_space<hbm>>
    %dma_start3A_46 = arith.constant 0 : i32
    %dma_start3A_47 = tpu.memref_slice %arg2[%add3A_43, %dma_start3A_46] : memref<8192x4096xf32, #tpu.memory_space<hbm>> -> memref<2x4096xf32, #tpu.memory_space<hbm>>
    tpu.enqueue_dma source(%dma_start3A_47 : memref<2x4096xf32, #tpu.memory_space<hbm>>) target(%arg6 : memref<2x4096xf32, #tpu.memory_space<vmem>>) target_semaphore(%arg14 : memref<!tpu.dma_semaphore, #tpu.memory_space<semaphore_mem>>)
    %add3A_48 = arith.constant 2 : i32
    %add3A_49 = arith.addi %mul3A_2, %add3A_48 : i32
    %dma_wait3A_50 = arith.constant 0 : i32
    %dma_wait3A_51 = tpu.memref_slice %arg2[%add3A_49, %dma_wait3A_50] : memref<8192x4096xf32, #tpu.memory_space<hbm>> -> memref<2x4096xf32, #tpu.memory_space<hbm>>
    %dma_wait3A_52 = arith.constant 0 : i32
    %dma_wait3A_53 = tpu.memref_slice %arg2[%add3A_49, %dma_wait3A_52] : memref<8192x4096xf32, #tpu.memory_space<hbm>> -> memref<2x4096xf32, #tpu.memory_space<hbm>>
    tpu.wait_dma2 semaphore(%arg15 : memref<!tpu.dma_semaphore, #tpu.memory_space<semaphore_mem>>) src(%dma_wait3A_53 : memref<2x4096xf32, #tpu.memory_space<hbm>>) dst(%arg7 : memref<2x4096xf32, #tpu.memory_space<vmem>>)
    %parallel_loop3A_54 = arith.constant 0 : i32
    %parallel_loop3A_55 = arith.constant 256 : i32
    %parallel_loop3A_56 = arith.constant 1 : i32
    scf.for %parallel_loop3A_224 = %parallel_loop3A_54 to %parallel_loop3A_55 step %parallel_loop3A_56  : i32 {
      %parallel_loop3A_225 = arith.constant 16 : i32
      %parallel_loop3A_226 = arith.muli %parallel_loop3A_224, %parallel_loop3A_225 : i32
      %parallel_loop3A_227 = arith.index_cast %parallel_loop3A_226 : i32 to index
      %parallel_loop3A_228 = tpu.vector_load %arg5[%parallel_loop3A_227] {strides = array<i32>} : memref<4096xi32, #tpu.memory_space<vmem>>, vector<16xi32>,
      %parallel_loop3A_229 = tpu.vector_load_idx %arg7[%broadcast_in_dim3A_3, %parallel_loop3A_228] : memref<2x4096xf32, #tpu.memory_space<vmem>>[vector<16xi32>, vector<16xi32>], vector<16xf32>,
      %parallel_loop3A_230 = arith.constant 0 : i32
      %parallel_loop3A_231 = arith.index_cast %parallel_loop3A_230 : i32 to index
      %parallel_loop3A_232 = arith.index_cast %parallel_loop3A_226 : i32 to index
      %parallel_loop3A_233 = tpu.vector_load %arg11[%parallel_loop3A_231, %parallel_loop3A_232] {strides = array<i32>} : memref<2x4096xf32, #tpu.memory_space<vmem>>, vector<16xf32>,
      tpu.vector_store %arg11[%parallel_loop3A_231, %parallel_loop3A_232], %parallel_loop3A_229 {strides = array<i32>} : memref<2x4096xf32, #tpu.memory_space<vmem>>, vector<16xf32>,
      %parallel_loop3A_234 = tpu.vector_load_idx %arg7[%broadcast_in_dim3A_5, %parallel_loop3A_228] : memref<2x4096xf32, #tpu.memory_space<vmem>>[vector<16xi32>, vector<16xi32>], vector<16xf32>,
      %parallel_loop3A_235 = arith.constant 1 : i32
      %parallel_loop3A_236 = arith.index_cast %parallel_loop3A_235 : i32 to index
      %parallel_loop3A_237 = arith.index_cast %parallel_loop3A_226 : i32 to index
      %parallel_loop3A_238 = tpu.vector_load %arg11[%parallel_loop3A_236, %parallel_loop3A_237] {strides = array<i32>} : memref<2x4096xf32, #tpu.memory_space<vmem>>, vector<16xf32>,
      tpu.vector_store %arg11[%parallel_loop3A_236, %parallel_loop3A_237], %parallel_loop3A_234 {strides = array<i32>} : memref<2x4096xf32, #tpu.memory_space<vmem>>, vector<16xf32>,
    } {sc.loop_unroll_factor = 2 : i64, sc.parallel_access}
    %add3A_57 = arith.constant 2 : i32
    %add3A_58 = arith.addi %mul3A_2, %add3A_57 : i32
    %dma_start3A_59 = arith.constant 0 : i32
    %dma_start3A_60 = tpu.memref_slice %arg4[%add3A_58, %dma_start3A_59] : memref<8192x4096xf32, #tpu.memory_space<hbm>> -> memref<2x4096xf32, #tpu.memory_space<hbm>>
    %dma_start3A_61 = arith.constant 0 : i32
    %dma_start3A_62 = tpu.memref_slice %arg4[%add3A_58, %dma_start3A_61] : memref<8192x4096xf32, #tpu.memory_space<hbm>> -> memref<2x4096xf32, #tpu.memory_space<hbm>>
    tpu.enqueue_dma source(%arg11 : memref<2x4096xf32, #tpu.memory_space<vmem>>) target(%dma_start3A_62 : memref<2x4096xf32, #tpu.memory_space<hbm>>) target_semaphore(%arg19 : memref<!tpu.dma_semaphore, #tpu.memory_space<semaphore_mem>>)
    %add3A_63 = arith.constant 10 : i32
    %add3A_64 = arith.addi %mul3A_2, %add3A_63 : i32
    %dma_start3A_65 = arith.constant 0 : i32
    %dma_start3A_66 = tpu.memref_slice %arg2[%add3A_64, %dma_start3A_65] : memref<8192x4096xf32, #tpu.memory_space<hbm>> -> memref<2x4096xf32, #tpu.memory_space<hbm>>
    %dma_start3A_67 = arith.constant 0 : i32
    %dma_start3A_68 = tpu.memref_slice %arg2[%add3A_64, %dma_start3A_67] : memref<8192x4096xf32, #tpu.memory_space<hbm>> -> memref<2x4096xf32, #tpu.memory_space<hbm>>
    tpu.enqueue_dma source(%dma_start3A_68 : memref<2x4096xf32, #tpu.memory_space<hbm>>) target(%arg7 : memref<2x4096xf32, #tpu.memory_space<vmem>>) target_semaphore(%arg15 : memref<!tpu.dma_semaphore, #tpu.memory_space<semaphore_mem>>)
    %add3A_69 = arith.constant 4 : i32
    %add3A_70 = arith.addi %mul3A_2, %add3A_69 : i32
    %dma_wait3A_71 = arith.constant 0 : i32
    %dma_wait3A_72 = tpu.memref_slice %arg2[%add3A_70, %dma_wait3A_71] : memref<8192x4096xf32, #tpu.memory_space<hbm>> -> memref<2x4096xf32, #tpu.memory_space<hbm>>
    %dma_wait3A_73 = arith.constant 0 : i32
    %dma_wait3A_74 = tpu.memref_slice %arg2[%add3A_70, %dma_wait3A_73] : memref<8192x4096xf32, #tpu.memory_space<hbm>> -> memref<2x4096xf32, #tpu.memory_space<hbm>>
    tpu.wait_dma2 semaphore(%arg16 : memref<!tpu.dma_semaphore, #tpu.memory_space<semaphore_mem>>) src(%dma_wait3A_74 : memref<2x4096xf32, #tpu.memory_space<hbm>>) dst(%arg8 : memref<2x4096xf32, #tpu.memory_space<vmem>>)
    %parallel_loop3A_75 = arith.constant 0 : i32
    %parallel_loop3A_76 = arith.constant 256 : i32
    %parallel_loop3A_77 = arith.constant 1 : i32
    scf.for %parallel_loop3A_224 = %parallel_loop3A_75 to %parallel_loop3A_76 step %parallel_loop3A_77  : i32 {
      %parallel_loop3A_225 = arith.constant 16 : i32
      %parallel_loop3A_226 = arith.muli %parallel_loop3A_224, %parallel_loop3A_225 : i32
      %parallel_loop3A_227 = arith.index_cast %parallel_loop3A_226 : i32 to index
      %parallel_loop3A_228 = tpu.vector_load %arg5[%parallel_loop3A_227] {strides = array<i32>} : memref<4096xi32, #tpu.memory_space<vmem>>, vector<16xi32>,
      %parallel_loop3A_229 = tpu.vector_load_idx %arg8[%broadcast_in_dim3A_3, %parallel_loop3A_228] : memref<2x4096xf32, #tpu.memory_space<vmem>>[vector<16xi32>, vector<16xi32>], vector<16xf32>,
      %parallel_loop3A_230 = arith.constant 0 : i32
      %parallel_loop3A_231 = arith.index_cast %parallel_loop3A_230 : i32 to index
      %parallel_loop3A_232 = arith.index_cast %parallel_loop3A_226 : i32 to index
      %parallel_loop3A_233 = tpu.vector_load %arg12[%parallel_loop3A_231, %parallel_loop3A_232] {strides = array<i32>} : memref<2x4096xf32, #tpu.memory_space<vmem>>, vector<16xf32>,
      tpu.vector_store %arg12[%parallel_loop3A_231, %parallel_loop3A_232], %parallel_loop3A_229 {strides = array<i32>} : memref<2x4096xf32, #tpu.memory_space<vmem>>, vector<16xf32>,
      %parallel_loop3A_234 = tpu.vector_load_idx %arg8[%broadcast_in_dim3A_5, %parallel_loop3A_228] : memref<2x4096xf32, #tpu.memory_space<vmem>>[vector<16xi32>, vector<16xi32>], vector<16xf32>,
      %parallel_loop3A_235 = arith.constant 1 : i32
      %parallel_loop3A_236 = arith.index_cast %parallel_loop3A_235 : i32 to index
      %parallel_loop3A_237 = arith.index_cast %parallel_loop3A_226 : i32 to index
      %parallel_loop3A_238 = tpu.vector_load %arg12[%parallel_loop3A_236, %parallel_loop3A_237] {strides = array<i32>} : memref<2x4096xf32, #tpu.memory_space<vmem>>, vector<16xf32>,
      tpu.vector_store %arg12[%parallel_loop3A_236, %parallel_loop3A_237], %parallel_loop3A_234 {strides = array<i32>} : memref<2x4096xf32, #tpu.memory_space<vmem>>, vector<16xf32>,
    } {sc.loop_unroll_factor = 2 : i64, sc.parallel_access}
    %add3A_78 = arith.constant 4 : i32
    %add3A_79 = arith.addi %mul3A_2, %add3A_78 : i32
    %dma_start3A_80 = arith.constant 0 : i32
    %dma_start3A_81 = tpu.memref_slice %arg4[%add3A_79, %dma_start3A_80] : memref<8192x4096xf32, #tpu.memory_space<hbm>> -> memref<2x4096xf32, #tpu.memory_space<hbm>>
    %dma_start3A_82 = arith.constant 0 : i32
    %dma_start3A_83 = tpu.memref_slice %arg4[%add3A_79, %dma_start3A_82] : memref<8192x4096xf32, #tpu.memory_space<hbm>> -> memref<2x4096xf32, #tpu.memory_space<hbm>>
    tpu.enqueue_dma source(%arg12 : memref<2x4096xf32, #tpu.memory_space<vmem>>) target(%dma_start3A_83 : memref<2x4096xf32, #tpu.memory_space<hbm>>) target_semaphore(%arg20 : memref<!tpu.dma_semaphore, #tpu.memory_space<semaphore_mem>>)
    %add3A_84 = arith.constant 12 : i32
    %add3A_85 = arith.addi %mul3A_2, %add3A_84 : i32
    %dma_start3A_86 = arith.constant 0 : i32
    %dma_start3A_87 = tpu.memref_slice %arg2[%add3A_85, %dma_start3A_86] : memref<8192x4096xf32, #tpu.memory_space<hbm>> -> memref<2x4096xf32, #tpu.memory_space<hbm>>
    %dma_start3A_88 = arith.constant 0 : i32
    %dma_start3A_89 = tpu.memref_slice %arg2[%add3A_85, %dma_start3A_88] : memref<8192x4096xf32, #tpu.memory_space<hbm>> -> memref<2x4096xf32, #tpu.memory_space<hbm>>
    tpu.enqueue_dma source(%dma_start3A_89 : memref<2x4096xf32, #tpu.memory_space<hbm>>) target(%arg8 : memref<2x4096xf32, #tpu.memory_space<vmem>>) target_semaphore(%arg16 : memref<!tpu.dma_semaphore, #tpu.memory_space<semaphore_mem>>)
    %add3A_90 = arith.constant 6 : i32
    %add3A_91 = arith.addi %mul3A_2, %add3A_90 : i32
    %dma_wait3A_92 = arith.constant 0 : i32
    %dma_wait3A_93 = tpu.memref_slice %arg2[%add3A_91, %dma_wait3A_92] : memref<8192x4096xf32, #tpu.memory_space<hbm>> -> memref<2x4096xf32, #tpu.memory_space<hbm>>
    %dma_wait3A_94 = arith.constant 0 : i32
    %dma_wait3A_95 = tpu.memref_slice %arg2[%add3A_91, %dma_wait3A_94] : memref<8192x4096xf32, #tpu.memory_space<hbm>> -> memref<2x4096xf32, #tpu.memory_space<hbm>>
    tpu.wait_dma2 semaphore(%arg17 : memref<!tpu.dma_semaphore, #tpu.memory_space<semaphore_mem>>) src(%dma_wait3A_95 : memref<2x4096xf32, #tpu.memory_space<hbm>>) dst(%arg9 : memref<2x4096xf32, #tpu.memory_space<vmem>>)
    %parallel_loop3A_96 = arith.constant 0 : i32
    %parallel_loop3A_97 = arith.constant 256 : i32
    %parallel_loop3A_98 = arith.constant 1 : i32
    scf.for %parallel_loop3A_224 = %parallel_loop3A_96 to %parallel_loop3A_97 step %parallel_loop3A_98  : i32 {
      %parallel_loop3A_225 = arith.constant 16 : i32
      %parallel_loop3A_226 = arith.muli %parallel_loop3A_224, %parallel_loop3A_225 : i32
      %parallel_loop3A_227 = arith.index_cast %parallel_loop3A_226 : i32 to index
      %parallel_loop3A_228 = tpu.vector_load %arg5[%parallel_loop3A_227] {strides = array<i32>} : memref<4096xi32, #tpu.memory_space<vmem>>, vector<16xi32>,
      %parallel_loop3A_229 = tpu.vector_load_idx %arg9[%broadcast_in_dim3A_3, %parallel_loop3A_228] : memref<2x4096xf32, #tpu.memory_space<vmem>>[vector<16xi32>, vector<16xi32>], vector<16xf32>,
      %parallel_loop3A_230 = arith.constant 0 : i32
      %parallel_loop3A_231 = arith.index_cast %parallel_loop3A_230 : i32 to index
      %parallel_loop3A_232 = arith.index_cast %parallel_loop3A_226 : i32 to index
      %parallel_loop3A_233 = tpu.vector_load %arg13[%parallel_loop3A_231, %parallel_loop3A_232] {strides = array<i32>} : memref<2x4096xf32, #tpu.memory_space<vmem>>, vector<16xf32>,
      tpu.vector_store %arg13[%parallel_loop3A_231, %parallel_loop3A_232], %parallel_loop3A_229 {strides = array<i32>} : memref<2x4096xf32, #tpu.memory_space<vmem>>, vector<16xf32>,
      %parallel_loop3A_234 = tpu.vector_load_idx %arg9[%broadcast_in_dim3A_5, %parallel_loop3A_228] : memref<2x4096xf32, #tpu.memory_space<vmem>>[vector<16xi32>, vector<16xi32>], vector<16xf32>,
      %parallel_loop3A_235 = arith.constant 1 : i32
      %parallel_loop3A_236 = arith.index_cast %parallel_loop3A_235 : i32 to index
      %parallel_loop3A_237 = arith.index_cast %parallel_loop3A_226 : i32 to index
      %parallel_loop3A_238 = tpu.vector_load %arg13[%parallel_loop3A_236, %parallel_loop3A_237] {strides = array<i32>} : memref<2x4096xf32, #tpu.memory_space<vmem>>, vector<16xf32>,
      tpu.vector_store %arg13[%parallel_loop3A_236, %parallel_loop3A_237], %parallel_loop3A_234 {strides = array<i32>} : memref<2x4096xf32, #tpu.memory_space<vmem>>, vector<16xf32>,
    } {sc.loop_unroll_factor = 2 : i64, sc.parallel_access}
    %add3A_99 = arith.constant 6 : i32
    %add3A_100 = arith.addi %mul3A_2, %add3A_99 : i32
    %dma_start3A_101 = arith.constant 0 : i32
    %dma_start3A_102 = tpu.memref_slice %arg4[%add3A_100, %dma_start3A_101] : memref<8192x4096xf32, #tpu.memory_space<hbm>> -> memref<2x4096xf32, #tpu.memory_space<hbm>>
    %dma_start3A_103 = arith.constant 0 : i32
    %dma_start3A_104 = tpu.memref_slice %arg4[%add3A_100, %dma_start3A_103] : memref<8192x4096xf32, #tpu.memory_space<hbm>> -> memref<2x4096xf32, #tpu.memory_space<hbm>>
    tpu.enqueue_dma source(%arg13 : memref<2x4096xf32, #tpu.memory_space<vmem>>) target(%dma_start3A_104 : memref<2x4096xf32, #tpu.memory_space<hbm>>) target_semaphore(%arg21 : memref<!tpu.dma_semaphore, #tpu.memory_space<semaphore_mem>>)
    %add3A_105 = arith.constant 14 : i32
    %add3A_106 = arith.addi %mul3A_2, %add3A_105 : i32
    %dma_start3A_107 = arith.constant 0 : i32
    %dma_start3A_108 = tpu.memref_slice %arg2[%add3A_106, %dma_start3A_107] : memref<8192x4096xf32, #tpu.memory_space<hbm>> -> memref<2x4096xf32, #tpu.memory_space<hbm>>
    %dma_start3A_109 = arith.constant 0 : i32
    %dma_start3A_110 = tpu.memref_slice %arg2[%add3A_106, %dma_start3A_109] : memref<8192x4096xf32, #tpu.memory_space<hbm>> -> memref<2x4096xf32, #tpu.memory_space<hbm>>
    tpu.enqueue_dma source(%dma_start3A_110 : memref<2x4096xf32, #tpu.memory_space<hbm>>) target(%arg9 : memref<2x4096xf32, #tpu.memory_space<vmem>>) target_semaphore(%arg17 : memref<!tpu.dma_semaphore, #tpu.memory_space<semaphore_mem>>)
    %scan3A = arith.constant 0 : i32
    %scan3A_111 = arith.constant 1 : i32
    %scan3A_112 = arith.constant 30 : i32
    %scan3A_113 = arith.addi %scan3A_111, %scan3A_112 : i32
    %scan3A_114 = arith.constant 1 : i32
    scf.for %scan3A_224 = %scan3A_111 to %scan3A_113 step %scan3A_114  : i32 {
      %mul3A_225 = arith.constant 4 : i32
      %mul3A_226 = arith.muli %mul3A_225, %scan3A_224 : i32
      %add3A_227 = arith.constant 0 : i32
      %add3A_228 = arith.addi %mul3A_226, %add3A_227 : i32
      %mul3A_229 = arith.constant 2 : i32
      %mul3A_230 = arith.muli %add3A_228, %mul3A_229 : i32
      %add3A_231 = arith.addi %mul3A_2, %mul3A_230 : i32
      %dma_wait3A_232 = arith.constant 0 : i32
      %dma_wait3A_233 = tpu.memref_slice %arg2[%add3A_231, %dma_wait3A_232] : memref<8192x4096xf32, #tpu.memory_space<hbm>> -> memref<2x4096xf32, #tpu.memory_space<hbm>>
      %dma_wait3A_234 = arith.constant 0 : i32
      %dma_wait3A_235 = tpu.memref_slice %arg2[%add3A_231, %dma_wait3A_234] : memref<8192x4096xf32, #tpu.memory_space<hbm>> -> memref<2x4096xf32, #tpu.memory_space<hbm>>
      tpu.wait_dma2 semaphore(%arg14 : memref<!tpu.dma_semaphore, #tpu.memory_space<semaphore_mem>>) src(%dma_wait3A_235 : memref<2x4096xf32, #tpu.memory_space<hbm>>) dst(%arg6 : memref<2x4096xf32, #tpu.memory_space<vmem>>)
      %sub3A = arith.constant 4 : i32
      %sub3A_236 = arith.subi %add3A_228, %sub3A : i32
      %mul3A_237 = arith.constant 2 : i32
      %mul3A_238 = arith.muli %sub3A_236, %mul3A_237 : i32
      %add3A_239 = arith.addi %mul3A_2, %mul3A_238 : i32
      %dma_wait3A_240 = arith.constant 0 : i32
      %dma_wait3A_241 = tpu.memref_slice %arg4[%add3A_239, %dma_wait3A_240] : memref<8192x4096xf32, #tpu.memory_space<hbm>> -> memref<2x4096xf32, #tpu.memory_space<hbm>>
      %dma_wait3A_242 = arith.constant 0 : i32
      %dma_wait3A_243 = tpu.memref_slice %arg4[%add3A_239, %dma_wait3A_242] : memref<8192x4096xf32, #tpu.memory_space<hbm>> -> memref<2x4096xf32, #tpu.memory_space<hbm>>
      tpu.wait_dma2 semaphore(%arg18 : memref<!tpu.dma_semaphore, #tpu.memory_space<semaphore_mem>>) src(%arg10 : memref<2x4096xf32, #tpu.memory_space<vmem>>) dst(%dma_wait3A_243 : memref<2x4096xf32, #tpu.memory_space<hbm>>)
      %parallel_loop3A_244 = arith.constant 0 : i32
      %parallel_loop3A_245 = arith.constant 256 : i32
      %parallel_loop3A_246 = arith.constant 1 : i32
      scf.for %parallel_loop3A_380 = %parallel_loop3A_244 to %parallel_loop3A_245 step %parallel_loop3A_246  : i32 {
        %parallel_loop3A_381 = arith.constant 16 : i32
        %parallel_loop3A_382 = arith.muli %parallel_loop3A_380, %parallel_loop3A_381 : i32
        %parallel_loop3A_383 = arith.index_cast %parallel_loop3A_382 : i32 to index
        %parallel_loop3A_384 = tpu.vector_load %arg5[%parallel_loop3A_383] {strides = array<i32>} : memref<4096xi32, #tpu.memory_space<vmem>>, vector<16xi32>,
        %parallel_loop3A_385 = tpu.vector_load_idx %arg6[%broadcast_in_dim3A_3, %parallel_loop3A_384] : memref<2x4096xf32, #tpu.memory_space<vmem>>[vector<16xi32>, vector<16xi32>], vector<16xf32>,
        %parallel_loop3A_386 = arith.constant 0 : i32
        %parallel_loop3A_387 = arith.index_cast %parallel_loop3A_386 : i32 to index
        %parallel_loop3A_388 = arith.index_cast %parallel_loop3A_382 : i32 to index
        %parallel_loop3A_389 = tpu.vector_load %arg10[%parallel_loop3A_387, %parallel_loop3A_388] {strides = array<i32>} : memref<2x4096xf32, #tpu.memory_space<vmem>>, vector<16xf32>,
        tpu.vector_store %arg10[%parallel_loop3A_387, %parallel_loop3A_388], %parallel_loop3A_385 {strides = array<i32>} : memref<2x4096xf32, #tpu.memory_space<vmem>>, vector<16xf32>,
        %parallel_loop3A_390 = tpu.vector_load_idx %arg6[%broadcast_in_dim3A_5, %parallel_loop3A_384] : memref<2x4096xf32, #tpu.memory_space<vmem>>[vector<16xi32>, vector<16xi32>], vector<16xf32>,
        %parallel_loop3A_391 = arith.constant 1 : i32
        %parallel_loop3A_392 = arith.index_cast %parallel_loop3A_391 : i32 to index
        %parallel_loop3A_393 = arith.index_cast %parallel_loop3A_382 : i32 to index
        %parallel_loop3A_394 = tpu.vector_load %arg10[%parallel_loop3A_392, %parallel_loop3A_393] {strides = array<i32>} : memref<2x4096xf32, #tpu.memory_space<vmem>>, vector<16xf32>,
        tpu.vector_store %arg10[%parallel_loop3A_392, %parallel_loop3A_393], %parallel_loop3A_390 {strides = array<i32>} : memref<2x4096xf32, #tpu.memory_space<vmem>>, vector<16xf32>,
      } {sc.loop_unroll_factor = 2 : i64, sc.parallel_access}
      %mul3A_247 = arith.constant 2 : i32
      %mul3A_248 = arith.muli %add3A_228, %mul3A_247 : i32
      %add3A_249 = arith.addi %mul3A_2, %mul3A_248 : i32
      %dma_start3A_250 = arith.constant 0 : i32
      %dma_start3A_251 = tpu.memref_slice %arg4[%add3A_249, %dma_start3A_250] : memref<8192x4096xf32, #tpu.memory_space<hbm>> -> memref<2x4096xf32, #tpu.memory_space<hbm>>
      %dma_start3A_252 = arith.constant 0 : i32
      %dma_start3A_253 = tpu.memref_slice %arg4[%add3A_249, %dma_start3A_252] : memref<8192x4096xf32, #tpu.memory_space<hbm>> -> memref<2x4096xf32, #tpu.memory_space<hbm>>
      tpu.enqueue_dma source(%arg10 : memref<2x4096xf32, #tpu.memory_space<vmem>>) target(%dma_start3A_253 : memref<2x4096xf32, #tpu.memory_space<hbm>>) target_semaphore(%arg18 : memref<!tpu.dma_semaphore, #tpu.memory_space<semaphore_mem>>)
      %add3A_254 = arith.constant 4 : i32
      %add3A_255 = arith.addi %add3A_228, %add3A_254 : i32
      %mul3A_256 = arith.constant 2 : i32
      %mul3A_257 = arith.muli %add3A_255, %mul3A_256 : i32
      %add3A_258 = arith.addi %mul3A_2, %mul3A_257 : i32
      %dma_start3A_259 = arith.constant 0 : i32
      %dma_start3A_260 = tpu.memref_slice %arg2[%add3A_258, %dma_start3A_259] : memref<8192x4096xf32, #tpu.memory_space<hbm>> -> memref<2x4096xf32, #tpu.memory_space<hbm>>
      %dma_start3A_261 = arith.constant 0 : i32
      %dma_start3A_262 = tpu.memref_slice %arg2[%add3A_258, %dma_start3A_261] : memref<8192x4096xf32, #tpu.memory_space<hbm>> -> memref<2x4096xf32, #tpu.memory_space<hbm>>
      tpu.enqueue_dma source(%dma_start3A_262 : memref<2x4096xf32, #tpu.memory_space<hbm>>) target(%arg6 : memref<2x4096xf32, #tpu.memory_space<vmem>>) target_semaphore(%arg14 : memref<!tpu.dma_semaphore, #tpu.memory_space<semaphore_mem>>)
      %mul3A_263 = arith.constant 4 : i32
      %mul3A_264 = arith.muli %mul3A_263, %scan3A_224 : i32
      %add3A_265 = arith.constant 1 : i32
      %add3A_266 = arith.addi %mul3A_264, %add3A_265 : i32
      %mul3A_267 = arith.constant 2 : i32
      %mul3A_268 = arith.muli %add3A_266, %mul3A_267 : i32
      %add3A_269 = arith.addi %mul3A_2, %mul3A_268 : i32
      %dma_wait3A_270 = arith.constant 0 : i32
      %dma_wait3A_271 = tpu.memref_slice %arg2[%add3A_269, %dma_wait3A_270] : memref<8192x4096xf32, #tpu.memory_space<hbm>> -> memref<2x4096xf32, #tpu.memory_space<hbm>>
      %dma_wait3A_272 = arith.constant 0 : i32
      %dma_wait3A_273 = tpu.memref_slice %arg2[%add3A_269, %dma_wait3A_272] : memref<8192x4096xf32, #tpu.memory_space<hbm>> -> memref<2x4096xf32, #tpu.memory_space<hbm>>
      tpu.wait_dma2 semaphore(%arg15 : memref<!tpu.dma_semaphore, #tpu.memory_space<semaphore_mem>>) src(%dma_wait3A_273 : memref<2x4096xf32, #tpu.memory_space<hbm>>) dst(%arg7 : memref<2x4096xf32, #tpu.memory_space<vmem>>)
      %sub3A_274 = arith.constant 4 : i32
      %sub3A_275 = arith.subi %add3A_266, %sub3A_274 : i32
      %mul3A_276 = arith.constant 2 : i32
      %mul3A_277 = arith.muli %sub3A_275, %mul3A_276 : i32
      %add3A_278 = arith.addi %mul3A_2, %mul3A_277 : i32
      %dma_wait3A_279 = arith.constant 0 : i32
      %dma_wait3A_280 = tpu.memref_slice %arg4[%add3A_278, %dma_wait3A_279] : memref<8192x4096xf32, #tpu.memory_space<hbm>> -> memref<2x4096xf32, #tpu.memory_space<hbm>>
      %dma_wait3A_281 = arith.constant 0 : i32
      %dma_wait3A_282 = tpu.memref_slice %arg4[%add3A_278, %dma_wait3A_281] : memref<8192x4096xf32, #tpu.memory_space<hbm>> -> memref<2x4096xf32, #tpu.memory_space<hbm>>
      tpu.wait_dma2 semaphore(%arg19 : memref<!tpu.dma_semaphore, #tpu.memory_space<semaphore_mem>>) src(%arg11 : memref<2x4096xf32, #tpu.memory_space<vmem>>) dst(%dma_wait3A_282 : memref<2x4096xf32, #tpu.memory_space<hbm>>)
      %parallel_loop3A_283 = arith.constant 0 : i32
      %parallel_loop3A_284 = arith.constant 256 : i32
      %parallel_loop3A_285 = arith.constant 1 : i32
      scf.for %parallel_loop3A_380 = %parallel_loop3A_283 to %parallel_loop3A_284 step %parallel_loop3A_285  : i32 {
        %parallel_loop3A_381 = arith.constant 16 : i32
        %parallel_loop3A_382 = arith.muli %parallel_loop3A_380, %parallel_loop3A_381 : i32
        %parallel_loop3A_383 = arith.index_cast %parallel_loop3A_382 : i32 to index
        %parallel_loop3A_384 = tpu.vector_load %arg5[%parallel_loop3A_383] {strides = array<i32>} : memref<4096xi32, #tpu.memory_space<vmem>>, vector<16xi32>,
        %parallel_loop3A_385 = tpu.vector_load_idx %arg7[%broadcast_in_dim3A_3, %parallel_loop3A_384] : memref<2x4096xf32, #tpu.memory_space<vmem>>[vector<16xi32>, vector<16xi32>], vector<16xf32>,
        %parallel_loop3A_386 = arith.constant 0 : i32
        %parallel_loop3A_387 = arith.index_cast %parallel_loop3A_386 : i32 to index
        %parallel_loop3A_388 = arith.index_cast %parallel_loop3A_382 : i32 to index
        %parallel_loop3A_389 = tpu.vector_load %arg11[%parallel_loop3A_387, %parallel_loop3A_388] {strides = array<i32>} : memref<2x4096xf32, #tpu.memory_space<vmem>>, vector<16xf32>,
        tpu.vector_store %arg11[%parallel_loop3A_387, %parallel_loop3A_388], %parallel_loop3A_385 {strides = array<i32>} : memref<2x4096xf32, #tpu.memory_space<vmem>>, vector<16xf32>,
        %parallel_loop3A_390 = tpu.vector_load_idx %arg7[%broadcast_in_dim3A_5, %parallel_loop3A_384] : memref<2x4096xf32, #tpu.memory_space<vmem>>[vector<16xi32>, vector<16xi32>], vector<16xf32>,
        %parallel_loop3A_391 = arith.constant 1 : i32
        %parallel_loop3A_392 = arith.index_cast %parallel_loop3A_391 : i32 to index
        %parallel_loop3A_393 = arith.index_cast %parallel_loop3A_382 : i32 to index
        %parallel_loop3A_394 = tpu.vector_load %arg11[%parallel_loop3A_392, %parallel_loop3A_393] {strides = array<i32>} : memref<2x4096xf32, #tpu.memory_space<vmem>>, vector<16xf32>,
        tpu.vector_store %arg11[%parallel_loop3A_392, %parallel_loop3A_393], %parallel_loop3A_390 {strides = array<i32>} : memref<2x4096xf32, #tpu.memory_space<vmem>>, vector<16xf32>,
      } {sc.loop_unroll_factor = 2 : i64, sc.parallel_access}
      %mul3A_286 = arith.constant 2 : i32
      %mul3A_287 = arith.muli %add3A_266, %mul3A_286 : i32
      %add3A_288 = arith.addi %mul3A_2, %mul3A_287 : i32
      %dma_start3A_289 = arith.constant 0 : i32
      %dma_start3A_290 = tpu.memref_slice %arg4[%add3A_288, %dma_start3A_289] : memref<8192x4096xf32, #tpu.memory_space<hbm>> -> memref<2x4096xf32, #tpu.memory_space<hbm>>
      %dma_start3A_291 = arith.constant 0 : i32
      %dma_start3A_292 = tpu.memref_slice %arg4[%add3A_288, %dma_start3A_291] : memref<8192x4096xf32, #tpu.memory_space<hbm>> -> memref<2x4096xf32, #tpu.memory_space<hbm>>
      tpu.enqueue_dma source(%arg11 : memref<2x4096xf32, #tpu.memory_space<vmem>>) target(%dma_start3A_292 : memref<2x4096xf32, #tpu.memory_space<hbm>>) target_semaphore(%arg19 : memref<!tpu.dma_semaphore, #tpu.memory_space<semaphore_mem>>)
      %add3A_293 = arith.constant 4 : i32
      %add3A_294 = arith.addi %add3A_266, %add3A_293 : i32
      %mul3A_295 = arith.constant 2 : i32
      %mul3A_296 = arith.muli %add3A_294, %mul3A_295 : i32
      %add3A_297 = arith.addi %mul3A_2, %mul3A_296 : i32
      %dma_start3A_298 = arith.constant 0 : i32
      %dma_start3A_299 = tpu.memref_slice %arg2[%add3A_297, %dma_start3A_298] : memref<8192x4096xf32, #tpu.memory_space<hbm>> -> memref<2x4096xf32, #tpu.memory_space<hbm>>
      %dma_start3A_300 = arith.constant 0 : i32
      %dma_start3A_301 = tpu.memref_slice %arg2[%add3A_297, %dma_start3A_300] : memref<8192x4096xf32, #tpu.memory_space<hbm>> -> memref<2x4096xf32, #tpu.memory_space<hbm>>
      tpu.enqueue_dma source(%dma_start3A_301 : memref<2x4096xf32, #tpu.memory_space<hbm>>) target(%arg7 : memref<2x4096xf32, #tpu.memory_space<vmem>>) target_semaphore(%arg15 : memref<!tpu.dma_semaphore, #tpu.memory_space<semaphore_mem>>)
      %mul3A_302 = arith.constant 4 : i32
      %mul3A_303 = arith.muli %mul3A_302, %scan3A_224 : i32
      %add3A_304 = arith.constant 2 : i32
      %add3A_305 = arith.addi %mul3A_303, %add3A_304 : i32
      %mul3A_306 = arith.constant 2 : i32
      %mul3A_307 = arith.muli %add3A_305, %mul3A_306 : i32
      %add3A_308 = arith.addi %mul3A_2, %mul3A_307 : i32
      %dma_wait3A_309 = arith.constant 0 : i32
      %dma_wait3A_310 = tpu.memref_slice %arg2[%add3A_308, %dma_wait3A_309] : memref<8192x4096xf32, #tpu.memory_space<hbm>> -> memref<2x4096xf32, #tpu.memory_space<hbm>>
      %dma_wait3A_311 = arith.constant 0 : i32
      %dma_wait3A_312 = tpu.memref_slice %arg2[%add3A_308, %dma_wait3A_311] : memref<8192x4096xf32, #tpu.memory_space<hbm>> -> memref<2x4096xf32, #tpu.memory_space<hbm>>
      tpu.wait_dma2 semaphore(%arg16 : memref<!tpu.dma_semaphore, #tpu.memory_space<semaphore_mem>>) src(%dma_wait3A_312 : memref<2x4096xf32, #tpu.memory_space<hbm>>) dst(%arg8 : memref<2x4096xf32, #tpu.memory_space<vmem>>)
      %sub3A_313 = arith.constant 4 : i32
      %sub3A_314 = arith.subi %add3A_305, %sub3A_313 : i32
      %mul3A_315 = arith.constant 2 : i32
      %mul3A_316 = arith.muli %sub3A_314, %mul3A_315 : i32
      %add3A_317 = arith.addi %mul3A_2, %mul3A_316 : i32
      %dma_wait3A_318 = arith.constant 0 : i32
      %dma_wait3A_319 = tpu.memref_slice %arg4[%add3A_317, %dma_wait3A_318] : memref<8192x4096xf32, #tpu.memory_space<hbm>> -> memref<2x4096xf32, #tpu.memory_space<hbm>>
      %dma_wait3A_320 = arith.constant 0 : i32
      %dma_wait3A_321 = tpu.memref_slice %arg4[%add3A_317, %dma_wait3A_320] : memref<8192x4096xf32, #tpu.memory_space<hbm>> -> memref<2x4096xf32, #tpu.memory_space<hbm>>
      tpu.wait_dma2 semaphore(%arg20 : memref<!tpu.dma_semaphore, #tpu.memory_space<semaphore_mem>>) src(%arg12 : memref<2x4096xf32, #tpu.memory_space<vmem>>) dst(%dma_wait3A_321 : memref<2x4096xf32, #tpu.memory_space<hbm>>)
      %parallel_loop3A_322 = arith.constant 0 : i32
      %parallel_loop3A_323 = arith.constant 256 : i32
      %parallel_loop3A_324 = arith.constant 1 : i32
      scf.for %parallel_loop3A_380 = %parallel_loop3A_322 to %parallel_loop3A_323 step %parallel_loop3A_324  : i32 {
        %parallel_loop3A_381 = arith.constant 16 : i32
        %parallel_loop3A_382 = arith.muli %parallel_loop3A_380, %parallel_loop3A_381 : i32
        %parallel_loop3A_383 = arith.index_cast %parallel_loop3A_382 : i32 to index
        %parallel_loop3A_384 = tpu.vector_load %arg5[%parallel_loop3A_383] {strides = array<i32>} : memref<4096xi32, #tpu.memory_space<vmem>>, vector<16xi32>,
        %parallel_loop3A_385 = tpu.vector_load_idx %arg8[%broadcast_in_dim3A_3, %parallel_loop3A_384] : memref<2x4096xf32, #tpu.memory_space<vmem>>[vector<16xi32>, vector<16xi32>], vector<16xf32>,
        %parallel_loop3A_386 = arith.constant 0 : i32
        %parallel_loop3A_387 = arith.index_cast %parallel_loop3A_386 : i32 to index
        %parallel_loop3A_388 = arith.index_cast %parallel_loop3A_382 : i32 to index
        %parallel_loop3A_389 = tpu.vector_load %arg12[%parallel_loop3A_387, %parallel_loop3A_388] {strides = array<i32>} : memref<2x4096xf32, #tpu.memory_space<vmem>>, vector<16xf32>,
        tpu.vector_store %arg12[%parallel_loop3A_387, %parallel_loop3A_388], %parallel_loop3A_385 {strides = array<i32>} : memref<2x4096xf32, #tpu.memory_space<vmem>>, vector<16xf32>,
        %parallel_loop3A_390 = tpu.vector_load_idx %arg8[%broadcast_in_dim3A_5, %parallel_loop3A_384] : memref<2x4096xf32, #tpu.memory_space<vmem>>[vector<16xi32>, vector<16xi32>], vector<16xf32>,
        %parallel_loop3A_391 = arith.constant 1 : i32
        %parallel_loop3A_392 = arith.index_cast %parallel_loop3A_391 : i32 to index
        %parallel_loop3A_393 = arith.index_cast %parallel_loop3A_382 : i32 to index
        %parallel_loop3A_394 = tpu.vector_load %arg12[%parallel_loop3A_392, %parallel_loop3A_393] {strides = array<i32>} : memref<2x4096xf32, #tpu.memory_space<vmem>>, vector<16xf32>,
        tpu.vector_store %arg12[%parallel_loop3A_392, %parallel_loop3A_393], %parallel_loop3A_390 {strides = array<i32>} : memref<2x4096xf32, #tpu.memory_space<vmem>>, vector<16xf32>,
      } {sc.loop_unroll_factor = 2 : i64, sc.parallel_access}
      %mul3A_325 = arith.constant 2 : i32
      %mul3A_326 = arith.muli %add3A_305, %mul3A_325 : i32
      %add3A_327 = arith.addi %mul3A_2, %mul3A_326 : i32
      %dma_start3A_328 = arith.constant 0 : i32
      %dma_start3A_329 = tpu.memref_slice %arg4[%add3A_327, %dma_start3A_328] : memref<8192x4096xf32, #tpu.memory_space<hbm>> -> memref<2x4096xf32, #tpu.memory_space<hbm>>
      %dma_start3A_330 = arith.constant 0 : i32
      %dma_start3A_331 = tpu.memref_slice %arg4[%add3A_327, %dma_start3A_330] : memref<8192x4096xf32, #tpu.memory_space<hbm>> -> memref<2x4096xf32, #tpu.memory_space<hbm>>
      tpu.enqueue_dma source(%arg12 : memref<2x4096xf32, #tpu.memory_space<vmem>>) target(%dma_start3A_331 : memref<2x4096xf32, #tpu.memory_space<hbm>>) target_semaphore(%arg20 : memref<!tpu.dma_semaphore, #tpu.memory_space<semaphore_mem>>)
      %add3A_332 = arith.constant 4 : i32
      %add3A_333 = arith.addi %add3A_305, %add3A_332 : i32
      %mul3A_334 = arith.constant 2 : i32
      %mul3A_335 = arith.muli %add3A_333, %mul3A_334 : i32
      %add3A_336 = arith.addi %mul3A_2, %mul3A_335 : i32
      %dma_start3A_337 = arith.constant 0 : i32
      %dma_start3A_338 = tpu.memref_slice %arg2[%add3A_336, %dma_start3A_337] : memref<8192x4096xf32, #tpu.memory_space<hbm>> -> memref<2x4096xf32, #tpu.memory_space<hbm>>
      %dma_start3A_339 = arith.constant 0 : i32
      %dma_start3A_340 = tpu.memref_slice %arg2[%add3A_336, %dma_start3A_339] : memref<8192x4096xf32, #tpu.memory_space<hbm>> -> memref<2x4096xf32, #tpu.memory_space<hbm>>
      tpu.enqueue_dma source(%dma_start3A_340 : memref<2x4096xf32, #tpu.memory_space<hbm>>) target(%arg8 : memref<2x4096xf32, #tpu.memory_space<vmem>>) target_semaphore(%arg16 : memref<!tpu.dma_semaphore, #tpu.memory_space<semaphore_mem>>)
      %mul3A_341 = arith.constant 4 : i32
      %mul3A_342 = arith.muli %mul3A_341, %scan3A_224 : i32
      %add3A_343 = arith.constant 3 : i32
      %add3A_344 = arith.addi %mul3A_342, %add3A_343 : i32
      %mul3A_345 = arith.constant 2 : i32
      %mul3A_346 = arith.muli %add3A_344, %mul3A_345 : i32
      %add3A_347 = arith.addi %mul3A_2, %mul3A_346 : i32
      %dma_wait3A_348 = arith.constant 0 : i32
      %dma_wait3A_349 = tpu.memref_slice %arg2[%add3A_347, %dma_wait3A_348] : memref<8192x4096xf32, #tpu.memory_space<hbm>> -> memref<2x4096xf32, #tpu.memory_space<hbm>>
      %dma_wait3A_350 = arith.constant 0 : i32
      %dma_wait3A_351 = tpu.memref_slice %arg2[%add3A_347, %dma_wait3A_350] : memref<8192x4096xf32, #tpu.memory_space<hbm>> -> memref<2x4096xf32, #tpu.memory_space<hbm>>
      tpu.wait_dma2 semaphore(%arg17 : memref<!tpu.dma_semaphore, #tpu.memory_space<semaphore_mem>>) src(%dma_wait3A_351 : memref<2x4096xf32, #tpu.memory_space<hbm>>) dst(%arg9 : memref<2x4096xf32, #tpu.memory_space<vmem>>)
      %sub3A_352 = arith.constant 4 : i32
      %sub3A_353 = arith.subi %add3A_344, %sub3A_352 : i32
      %mul3A_354 = arith.constant 2 : i32
      %mul3A_355 = arith.muli %sub3A_353, %mul3A_354 : i32
      %add3A_356 = arith.addi %mul3A_2, %mul3A_355 : i32
      %dma_wait3A_357 = arith.constant 0 : i32
      %dma_wait3A_358 = tpu.memref_slice %arg4[%add3A_356, %dma_wait3A_357] : memref<8192x4096xf32, #tpu.memory_space<hbm>> -> memref<2x4096xf32, #tpu.memory_space<hbm>>
      %dma_wait3A_359 = arith.constant 0 : i32
      %dma_wait3A_360 = tpu.memref_slice %arg4[%add3A_356, %dma_wait3A_359] : memref<8192x4096xf32, #tpu.memory_space<hbm>> -> memref<2x4096xf32, #tpu.memory_space<hbm>>
      tpu.wait_dma2 semaphore(%arg21 : memref<!tpu.dma_semaphore, #tpu.memory_space<semaphore_mem>>) src(%arg13 : memref<2x4096xf32, #tpu.memory_space<vmem>>) dst(%dma_wait3A_360 : memref<2x4096xf32, #tpu.memory_space<hbm>>)
      %parallel_loop3A_361 = arith.constant 0 : i32
      %parallel_loop3A_362 = arith.constant 256 : i32
      %parallel_loop3A_363 = arith.constant 1 : i32
      scf.for %parallel_loop3A_380 = %parallel_loop3A_361 to %parallel_loop3A_362 step %parallel_loop3A_363  : i32 {
        %parallel_loop3A_381 = arith.constant 16 : i32
        %parallel_loop3A_382 = arith.muli %parallel_loop3A_380, %parallel_loop3A_381 : i32
        %parallel_loop3A_383 = arith.index_cast %parallel_loop3A_382 : i32 to index
        %parallel_loop3A_384 = tpu.vector_load %arg5[%parallel_loop3A_383] {strides = array<i32>} : memref<4096xi32, #tpu.memory_space<vmem>>, vector<16xi32>,
        %parallel_loop3A_385 = tpu.vector_load_idx %arg9[%broadcast_in_dim3A_3, %parallel_loop3A_384] : memref<2x4096xf32, #tpu.memory_space<vmem>>[vector<16xi32>, vector<16xi32>], vector<16xf32>,
        %parallel_loop3A_386 = arith.constant 0 : i32
        %parallel_loop3A_387 = arith.index_cast %parallel_loop3A_386 : i32 to index
        %parallel_loop3A_388 = arith.index_cast %parallel_loop3A_382 : i32 to index
        %parallel_loop3A_389 = tpu.vector_load %arg13[%parallel_loop3A_387, %parallel_loop3A_388] {strides = array<i32>} : memref<2x4096xf32, #tpu.memory_space<vmem>>, vector<16xf32>,
        tpu.vector_store %arg13[%parallel_loop3A_387, %parallel_loop3A_388], %parallel_loop3A_385 {strides = array<i32>} : memref<2x4096xf32, #tpu.memory_space<vmem>>, vector<16xf32>,
        %parallel_loop3A_390 = tpu.vector_load_idx %arg9[%broadcast_in_dim3A_5, %parallel_loop3A_384] : memref<2x4096xf32, #tpu.memory_space<vmem>>[vector<16xi32>, vector<16xi32>], vector<16xf32>,
        %parallel_loop3A_391 = arith.constant 1 : i32
        %parallel_loop3A_392 = arith.index_cast %parallel_loop3A_391 : i32 to index
        %parallel_loop3A_393 = arith.index_cast %parallel_loop3A_382 : i32 to index
        %parallel_loop3A_394 = tpu.vector_load %arg13[%parallel_loop3A_392, %parallel_loop3A_393] {strides = array<i32>} : memref<2x4096xf32, #tpu.memory_space<vmem>>, vector<16xf32>,
        tpu.vector_store %arg13[%parallel_loop3A_392, %parallel_loop3A_393], %parallel_loop3A_390 {strides = array<i32>} : memref<2x4096xf32, #tpu.memory_space<vmem>>, vector<16xf32>,
      } {sc.loop_unroll_factor = 2 : i64, sc.parallel_access}
      %mul3A_364 = arith.constant 2 : i32
      %mul3A_365 = arith.muli %add3A_344, %mul3A_364 : i32
      %add3A_366 = arith.addi %mul3A_2, %mul3A_365 : i32
      %dma_start3A_367 = arith.constant 0 : i32
      %dma_start3A_368 = tpu.memref_slice %arg4[%add3A_366, %dma_start3A_367] : memref<8192x4096xf32, #tpu.memory_space<hbm>> -> memref<2x4096xf32, #tpu.memory_space<hbm>>
      %dma_start3A_369 = arith.constant 0 : i32
      %dma_start3A_370 = tpu.memref_slice %arg4[%add3A_366, %dma_start3A_369] : memref<8192x4096xf32, #tpu.memory_space<hbm>> -> memref<2x4096xf32, #tpu.memory_space<hbm>>
      tpu.enqueue_dma source(%arg13 : memref<2x4096xf32, #tpu.memory_space<vmem>>) target(%dma_start3A_370 : memref<2x4096xf32, #tpu.memory_space<hbm>>) target_semaphore(%arg21 : memref<!tpu.dma_semaphore, #tpu.memory_space<semaphore_mem>>)
      %add3A_371 = arith.constant 4 : i32
      %add3A_372 = arith.addi %add3A_344, %add3A_371 : i32
      %mul3A_373 = arith.constant 2 : i32
      %mul3A_374 = arith.muli %add3A_372, %mul3A_373 : i32
      %add3A_375 = arith.addi %mul3A_2, %mul3A_374 : i32
      %dma_start3A_376 = arith.constant 0 : i32
      %dma_start3A_377 = tpu.memref_slice %arg2[%add3A_375, %dma_start3A_376] : memref<8192x4096xf32, #tpu.memory_space<hbm>> -> memref<2x4096xf32, #tpu.memory_space<hbm>>
      %dma_start3A_378 = arith.constant 0 : i32
      %dma_start3A_379 = tpu.memref_slice %arg2[%add3A_375, %dma_start3A_378] : memref<8192x4096xf32, #tpu.memory_space<hbm>> -> memref<2x4096xf32, #tpu.memory_space<hbm>>
      tpu.enqueue_dma source(%dma_start3A_379 : memref<2x4096xf32, #tpu.memory_space<hbm>>) target(%arg9 : memref<2x4096xf32, #tpu.memory_space<vmem>>) target_semaphore(%arg17 : memref<!tpu.dma_semaphore, #tpu.memory_space<semaphore_mem>>)
    }
    %scan3A_115 = arith.constant 30 : i32
    %add3A_116 = arith.constant 248 : i32
    %add3A_117 = arith.addi %mul3A_2, %add3A_116 : i32
    %dma_wait3A_118 = arith.constant 0 : i32
    %dma_wait3A_119 = tpu.memref_slice %arg2[%add3A_117, %dma_wait3A_118] : memref<8192x4096xf32, #tpu.memory_space<hbm>> -> memref<2x4096xf32, #tpu.memory_space<hbm>>
    %dma_wait3A_120 = arith.constant 0 : i32
    %dma_wait3A_121 = tpu.memref_slice %arg2[%add3A_117, %dma_wait3A_120] : memref<8192x4096xf32, #tpu.memory_space<hbm>> -> memref<2x4096xf32, #tpu.memory_space<hbm>>
    tpu.wait_dma2 semaphore(%arg14 : memref<!tpu.dma_semaphore, #tpu.memory_space<semaphore_mem>>) src(%dma_wait3A_121 : memref<2x4096xf32, #tpu.memory_space<hbm>>) dst(%arg6 : memref<2x4096xf32, #tpu.memory_space<vmem>>)
    %add3A_122 = arith.constant 240 : i32
    %add3A_123 = arith.addi %mul3A_2, %add3A_122 : i32
    %dma_wait3A_124 = arith.constant 0 : i32
    %dma_wait3A_125 = tpu.memref_slice %arg4[%add3A_123, %dma_wait3A_124] : memref<8192x4096xf32, #tpu.memory_space<hbm>> -> memref<2x4096xf32, #tpu.memory_space<hbm>>
    %dma_wait3A_126 = arith.constant 0 : i32
    %dma_wait3A_127 = tpu.memref_slice %arg4[%add3A_123, %dma_wait3A_126] : memref<8192x4096xf32, #tpu.memory_space<hbm>> -> memref<2x4096xf32, #tpu.memory_space<hbm>>
    tpu.wait_dma2 semaphore(%arg18 : memref<!tpu.dma_semaphore, #tpu.memory_space<semaphore_mem>>) src(%arg10 : memref<2x4096xf32, #tpu.memory_space<vmem>>) dst(%dma_wait3A_127 : memref<2x4096xf32, #tpu.memory_space<hbm>>)
    %parallel_loop3A_128 = arith.constant 0 : i32
    %parallel_loop3A_129 = arith.constant 256 : i32
    %parallel_loop3A_130 = arith.constant 1 : i32
    scf.for %parallel_loop3A_224 = %parallel_loop3A_128 to %parallel_loop3A_129 step %parallel_loop3A_130  : i32 {
      %parallel_loop3A_225 = arith.constant 16 : i32
      %parallel_loop3A_226 = arith.muli %parallel_loop3A_224, %parallel_loop3A_225 : i32
      %parallel_loop3A_227 = arith.index_cast %parallel_loop3A_226 : i32 to index
      %parallel_loop3A_228 = tpu.vector_load %arg5[%parallel_loop3A_227] {strides = array<i32>} : memref<4096xi32, #tpu.memory_space<vmem>>, vector<16xi32>,
      %parallel_loop3A_229 = tpu.vector_load_idx %arg6[%broadcast_in_dim3A_3, %parallel_loop3A_228] : memref<2x4096xf32, #tpu.memory_space<vmem>>[vector<16xi32>, vector<16xi32>], vector<16xf32>,
      %parallel_loop3A_230 = arith.constant 0 : i32
      %parallel_loop3A_231 = arith.index_cast %parallel_loop3A_230 : i32 to index
      %parallel_loop3A_232 = arith.index_cast %parallel_loop3A_226 : i32 to index
      %parallel_loop3A_233 = tpu.vector_load %arg10[%parallel_loop3A_231, %parallel_loop3A_232] {strides = array<i32>} : memref<2x4096xf32, #tpu.memory_space<vmem>>, vector<16xf32>,
      tpu.vector_store %arg10[%parallel_loop3A_231, %parallel_loop3A_232], %parallel_loop3A_229 {strides = array<i32>} : memref<2x4096xf32, #tpu.memory_space<vmem>>, vector<16xf32>,
      %parallel_loop3A_234 = tpu.vector_load_idx %arg6[%broadcast_in_dim3A_5, %parallel_loop3A_228] : memref<2x4096xf32, #tpu.memory_space<vmem>>[vector<16xi32>, vector<16xi32>], vector<16xf32>,
      %parallel_loop3A_235 = arith.constant 1 : i32
      %parallel_loop3A_236 = arith.index_cast %parallel_loop3A_235 : i32 to index
      %parallel_loop3A_237 = arith.index_cast %parallel_loop3A_226 : i32 to index
      %parallel_loop3A_238 = tpu.vector_load %arg10[%parallel_loop3A_236, %parallel_loop3A_237] {strides = array<i32>} : memref<2x4096xf32, #tpu.memory_space<vmem>>, vector<16xf32>,
      tpu.vector_store %arg10[%parallel_loop3A_236, %parallel_loop3A_237], %parallel_loop3A_234 {strides = array<i32>} : memref<2x4096xf32, #tpu.memory_space<vmem>>, vector<16xf32>,
    } {sc.loop_unroll_factor = 2 : i64, sc.parallel_access}
    %add3A_131 = arith.constant 248 : i32
    %add3A_132 = arith.addi %mul3A_2, %add3A_131 : i32
    %dma_start3A_133 = arith.constant 0 : i32
    %dma_start3A_134 = tpu.memref_slice %arg4[%add3A_132, %dma_start3A_133] : memref<8192x4096xf32, #tpu.memory_space<hbm>> -> memref<2x4096xf32, #tpu.memory_space<hbm>>
    %dma_start3A_135 = arith.constant 0 : i32
    %dma_start3A_136 = tpu.memref_slice %arg4[%add3A_132, %dma_start3A_135] : memref<8192x4096xf32, #tpu.memory_space<hbm>> -> memref<2x4096xf32, #tpu.memory_space<hbm>>
    tpu.enqueue_dma source(%arg10 : memref<2x4096xf32, #tpu.memory_space<vmem>>) target(%dma_start3A_136 : memref<2x4096xf32, #tpu.memory_space<hbm>>) target_semaphore(%arg18 : memref<!tpu.dma_semaphore, #tpu.memory_space<semaphore_mem>>)
    %add3A_137 = arith.constant 250 : i32
    %add3A_138 = arith.addi %mul3A_2, %add3A_137 : i32
    %dma_wait3A_139 = arith.constant 0 : i32
    %dma_wait3A_140 = tpu.memref_slice %arg2[%add3A_138, %dma_wait3A_139] : memref<8192x4096xf32, #tpu.memory_space<hbm>> -> memref<2x4096xf32, #tpu.memory_space<hbm>>
    %dma_wait3A_141 = arith.constant 0 : i32
    %dma_wait3A_142 = tpu.memref_slice %arg2[%add3A_138, %dma_wait3A_141] : memref<8192x4096xf32, #tpu.memory_space<hbm>> -> memref<2x4096xf32, #tpu.memory_space<hbm>>
    tpu.wait_dma2 semaphore(%arg15 : memref<!tpu.dma_semaphore, #tpu.memory_space<semaphore_mem>>) src(%dma_wait3A_142 : memref<2x4096xf32, #tpu.memory_space<hbm>>) dst(%arg7 : memref<2x4096xf32, #tpu.memory_space<vmem>>)
    %add3A_143 = arith.constant 242 : i32
    %add3A_144 = arith.addi %mul3A_2, %add3A_143 : i32
    %dma_wait3A_145 = arith.constant 0 : i32
    %dma_wait3A_146 = tpu.memref_slice %arg4[%add3A_144, %dma_wait3A_145] : memref<8192x4096xf32, #tpu.memory_space<hbm>> -> memref<2x4096xf32, #tpu.memory_space<hbm>>
    %dma_wait3A_147 = arith.constant 0 : i32
    %dma_wait3A_148 = tpu.memref_slice %arg4[%add3A_144, %dma_wait3A_147] : memref<8192x4096xf32, #tpu.memory_space<hbm>> -> memref<2x4096xf32, #tpu.memory_space<hbm>>
    tpu.wait_dma2 semaphore(%arg19 : memref<!tpu.dma_semaphore, #tpu.memory_space<semaphore_mem>>) src(%arg11 : memref<2x4096xf32, #tpu.memory_space<vmem>>) dst(%dma_wait3A_148 : memref<2x4096xf32, #tpu.memory_space<hbm>>)
    %parallel_loop3A_149 = arith.constant 0 : i32
    %parallel_loop3A_150 = arith.constant 256 : i32
    %parallel_loop3A_151 = arith.constant 1 : i32
    scf.for %parallel_loop3A_224 = %parallel_loop3A_149 to %parallel_loop3A_150 step %parallel_loop3A_151  : i32 {
      %parallel_loop3A_225 = arith.constant 16 : i32
      %parallel_loop3A_226 = arith.muli %parallel_loop3A_224, %parallel_loop3A_225 : i32
      %parallel_loop3A_227 = arith.index_cast %parallel_loop3A_226 : i32 to index
      %parallel_loop3A_228 = tpu.vector_load %arg5[%parallel_loop3A_227] {strides = array<i32>} : memref<4096xi32, #tpu.memory_space<vmem>>, vector<16xi32>,
      %parallel_loop3A_229 = tpu.vector_load_idx %arg7[%broadcast_in_dim3A_3, %parallel_loop3A_228] : memref<2x4096xf32, #tpu.memory_space<vmem>>[vector<16xi32>, vector<16xi32>], vector<16xf32>,
      %parallel_loop3A_230 = arith.constant 0 : i32
      %parallel_loop3A_231 = arith.index_cast %parallel_loop3A_230 : i32 to index
      %parallel_loop3A_232 = arith.index_cast %parallel_loop3A_226 : i32 to index
      %parallel_loop3A_233 = tpu.vector_load %arg11[%parallel_loop3A_231, %parallel_loop3A_232] {strides = array<i32>} : memref<2x4096xf32, #tpu.memory_space<vmem>>, vector<16xf32>,
      tpu.vector_store %arg11[%parallel_loop3A_231, %parallel_loop3A_232], %parallel_loop3A_229 {strides = array<i32>} : memref<2x4096xf32, #tpu.memory_space<vmem>>, vector<16xf32>,
      %parallel_loop3A_234 = tpu.vector_load_idx %arg7[%broadcast_in_dim3A_5, %parallel_loop3A_228] : memref<2x4096xf32, #tpu.memory_space<vmem>>[vector<16xi32>, vector<16xi32>], vector<16xf32>,
      %parallel_loop3A_235 = arith.constant 1 : i32
      %parallel_loop3A_236 = arith.index_cast %parallel_loop3A_235 : i32 to index
      %parallel_loop3A_237 = arith.index_cast %parallel_loop3A_226 : i32 to index
      %parallel_loop3A_238 = tpu.vector_load %arg11[%parallel_loop3A_236, %parallel_loop3A_237] {strides = array<i32>} : memref<2x4096xf32, #tpu.memory_space<vmem>>, vector<16xf32>,
      tpu.vector_store %arg11[%parallel_loop3A_236, %parallel_loop3A_237], %parallel_loop3A_234 {strides = array<i32>} : memref<2x4096xf32, #tpu.memory_space<vmem>>, vector<16xf32>,
    } {sc.loop_unroll_factor = 2 : i64, sc.parallel_access}
    %add3A_152 = arith.constant 250 : i32
    %add3A_153 = arith.addi %mul3A_2, %add3A_152 : i32
    %dma_start3A_154 = arith.constant 0 : i32
    %dma_start3A_155 = tpu.memref_slice %arg4[%add3A_153, %dma_start3A_154] : memref<8192x4096xf32, #tpu.memory_space<hbm>> -> memref<2x4096xf32, #tpu.memory_space<hbm>>
    %dma_start3A_156 = arith.constant 0 : i32
    %dma_start3A_157 = tpu.memref_slice %arg4[%add3A_153, %dma_start3A_156] : memref<8192x4096xf32, #tpu.memory_space<hbm>> -> memref<2x4096xf32, #tpu.memory_space<hbm>>
    tpu.enqueue_dma source(%arg11 : memref<2x4096xf32, #tpu.memory_space<vmem>>) target(%dma_start3A_157 : memref<2x4096xf32, #tpu.memory_space<hbm>>) target_semaphore(%arg19 : memref<!tpu.dma_semaphore, #tpu.memory_space<semaphore_mem>>)
    %add3A_158 = arith.constant 252 : i32
    %add3A_159 = arith.addi %mul3A_2, %add3A_158 : i32
    %dma_wait3A_160 = arith.constant 0 : i32
    %dma_wait3A_161 = tpu.memref_slice %arg2[%add3A_159, %dma_wait3A_160] : memref<8192x4096xf32, #tpu.memory_space<hbm>> -> memref<2x4096xf32, #tpu.memory_space<hbm>>
    %dma_wait3A_162 = arith.constant 0 : i32
    %dma_wait3A_163 = tpu.memref_slice %arg2[%add3A_159, %dma_wait3A_162] : memref<8192x4096xf32, #tpu.memory_space<hbm>> -> memref<2x4096xf32, #tpu.memory_space<hbm>>
    tpu.wait_dma2 semaphore(%arg16 : memref<!tpu.dma_semaphore, #tpu.memory_space<semaphore_mem>>) src(%dma_wait3A_163 : memref<2x4096xf32, #tpu.memory_space<hbm>>) dst(%arg8 : memref<2x4096xf32, #tpu.memory_space<vmem>>)
    %add3A_164 = arith.constant 244 : i32
    %add3A_165 = arith.addi %mul3A_2, %add3A_164 : i32
    %dma_wait3A_166 = arith.constant 0 : i32
    %dma_wait3A_167 = tpu.memref_slice %arg4[%add3A_165, %dma_wait3A_166] : memref<8192x4096xf32, #tpu.memory_space<hbm>> -> memref<2x4096xf32, #tpu.memory_space<hbm>>
    %dma_wait3A_168 = arith.constant 0 : i32
    %dma_wait3A_169 = tpu.memref_slice %arg4[%add3A_165, %dma_wait3A_168] : memref<8192x4096xf32, #tpu.memory_space<hbm>> -> memref<2x4096xf32, #tpu.memory_space<hbm>>
    tpu.wait_dma2 semaphore(%arg20 : memref<!tpu.dma_semaphore, #tpu.memory_space<semaphore_mem>>) src(%arg12 : memref<2x4096xf32, #tpu.memory_space<vmem>>) dst(%dma_wait3A_169 : memref<2x4096xf32, #tpu.memory_space<hbm>>)
    %parallel_loop3A_170 = arith.constant 0 : i32
    %parallel_loop3A_171 = arith.constant 256 : i32
    %parallel_loop3A_172 = arith.constant 1 : i32
    scf.for %parallel_loop3A_224 = %parallel_loop3A_170 to %parallel_loop3A_171 step %parallel_loop3A_172  : i32 {
      %parallel_loop3A_225 = arith.constant 16 : i32
      %parallel_loop3A_226 = arith.muli %parallel_loop3A_224, %parallel_loop3A_225 : i32
      %parallel_loop3A_227 = arith.index_cast %parallel_loop3A_226 : i32 to index
      %parallel_loop3A_228 = tpu.vector_load %arg5[%parallel_loop3A_227] {strides = array<i32>} : memref<4096xi32, #tpu.memory_space<vmem>>, vector<16xi32>,
      %parallel_loop3A_229 = tpu.vector_load_idx %arg8[%broadcast_in_dim3A_3, %parallel_loop3A_228] : memref<2x4096xf32, #tpu.memory_space<vmem>>[vector<16xi32>, vector<16xi32>], vector<16xf32>,
      %parallel_loop3A_230 = arith.constant 0 : i32
      %parallel_loop3A_231 = arith.index_cast %parallel_loop3A_230 : i32 to index
      %parallel_loop3A_232 = arith.index_cast %parallel_loop3A_226 : i32 to index
      %parallel_loop3A_233 = tpu.vector_load %arg12[%parallel_loop3A_231, %parallel_loop3A_232] {strides = array<i32>} : memref<2x4096xf32, #tpu.memory_space<vmem>>, vector<16xf32>,
      tpu.vector_store %arg12[%parallel_loop3A_231, %parallel_loop3A_232], %parallel_loop3A_229 {strides = array<i32>} : memref<2x4096xf32, #tpu.memory_space<vmem>>, vector<16xf32>,
      %parallel_loop3A_234 = tpu.vector_load_idx %arg8[%broadcast_in_dim3A_5, %parallel_loop3A_228] : memref<2x4096xf32, #tpu.memory_space<vmem>>[vector<16xi32>, vector<16xi32>], vector<16xf32>,
      %parallel_loop3A_235 = arith.constant 1 : i32
      %parallel_loop3A_236 = arith.index_cast %parallel_loop3A_235 : i32 to index
      %parallel_loop3A_237 = arith.index_cast %parallel_loop3A_226 : i32 to index
      %parallel_loop3A_238 = tpu.vector_load %arg12[%parallel_loop3A_236, %parallel_loop3A_237] {strides = array<i32>} : memref<2x4096xf32, #tpu.memory_space<vmem>>, vector<16xf32>,
      tpu.vector_store %arg12[%parallel_loop3A_236, %parallel_loop3A_237], %parallel_loop3A_234 {strides = array<i32>} : memref<2x4096xf32, #tpu.memory_space<vmem>>, vector<16xf32>,
    } {sc.loop_unroll_factor = 2 : i64, sc.parallel_access}
    %add3A_173 = arith.constant 252 : i32
    %add3A_174 = arith.addi %mul3A_2, %add3A_173 : i32
    %dma_start3A_175 = arith.constant 0 : i32
    %dma_start3A_176 = tpu.memref_slice %arg4[%add3A_174, %dma_start3A_175] : memref<8192x4096xf32, #tpu.memory_space<hbm>> -> memref<2x4096xf32, #tpu.memory_space<hbm>>
    %dma_start3A_177 = arith.constant 0 : i32
    %dma_start3A_178 = tpu.memref_slice %arg4[%add3A_174, %dma_start3A_177] : memref<8192x4096xf32, #tpu.memory_space<hbm>> -> memref<2x4096xf32, #tpu.memory_space<hbm>>
    tpu.enqueue_dma source(%arg12 : memref<2x4096xf32, #tpu.memory_space<vmem>>) target(%dma_start3A_178 : memref<2x4096xf32, #tpu.memory_space<hbm>>) target_semaphore(%arg20 : memref<!tpu.dma_semaphore, #tpu.memory_space<semaphore_mem>>)
    %add3A_179 = arith.constant 254 : i32
    %add3A_180 = arith.addi %mul3A_2, %add3A_179 : i32
    %dma_wait3A_181 = arith.constant 0 : i32
    %dma_wait3A_182 = tpu.memref_slice %arg2[%add3A_180, %dma_wait3A_181] : memref<8192x4096xf32, #tpu.memory_space<hbm>> -> memref<2x4096xf32, #tpu.memory_space<hbm>>
    %dma_wait3A_183 = arith.constant 0 : i32
    %dma_wait3A_184 = tpu.memref_slice %arg2[%add3A_180, %dma_wait3A_183] : memref<8192x4096xf32, #tpu.memory_space<hbm>> -> memref<2x4096xf32, #tpu.memory_space<hbm>>
    tpu.wait_dma2 semaphore(%arg17 : memref<!tpu.dma_semaphore, #tpu.memory_space<semaphore_mem>>) src(%dma_wait3A_184 : memref<2x4096xf32, #tpu.memory_space<hbm>>) dst(%arg9 : memref<2x4096xf32, #tpu.memory_space<vmem>>)
    %add3A_185 = arith.constant 246 : i32
    %add3A_186 = arith.addi %mul3A_2, %add3A_185 : i32
    %dma_wait3A_187 = arith.constant 0 : i32
    %dma_wait3A_188 = tpu.memref_slice %arg4[%add3A_186, %dma_wait3A_187] : memref<8192x4096xf32, #tpu.memory_space<hbm>> -> memref<2x4096xf32, #tpu.memory_space<hbm>>
    %dma_wait3A_189 = arith.constant 0 : i32
    %dma_wait3A_190 = tpu.memref_slice %arg4[%add3A_186, %dma_wait3A_189] : memref<8192x4096xf32, #tpu.memory_space<hbm>> -> memref<2x4096xf32, #tpu.memory_space<hbm>>
    tpu.wait_dma2 semaphore(%arg21 : memref<!tpu.dma_semaphore, #tpu.memory_space<semaphore_mem>>) src(%arg13 : memref<2x4096xf32, #tpu.memory_space<vmem>>) dst(%dma_wait3A_190 : memref<2x4096xf32, #tpu.memory_space<hbm>>)
    %parallel_loop3A_191 = arith.constant 0 : i32
    %parallel_loop3A_192 = arith.constant 256 : i32
    %parallel_loop3A_193 = arith.constant 1 : i32
    scf.for %parallel_loop3A_224 = %parallel_loop3A_191 to %parallel_loop3A_192 step %parallel_loop3A_193  : i32 {
      %parallel_loop3A_225 = arith.constant 16 : i32
      %parallel_loop3A_226 = arith.muli %parallel_loop3A_224, %parallel_loop3A_225 : i32
      %parallel_loop3A_227 = arith.index_cast %parallel_loop3A_226 : i32 to index
      %parallel_loop3A_228 = tpu.vector_load %arg5[%parallel_loop3A_227] {strides = array<i32>} : memref<4096xi32, #tpu.memory_space<vmem>>, vector<16xi32>,
      %parallel_loop3A_229 = tpu.vector_load_idx %arg9[%broadcast_in_dim3A_3, %parallel_loop3A_228] : memref<2x4096xf32, #tpu.memory_space<vmem>>[vector<16xi32>, vector<16xi32>], vector<16xf32>,
      %parallel_loop3A_230 = arith.constant 0 : i32
      %parallel_loop3A_231 = arith.index_cast %parallel_loop3A_230 : i32 to index
      %parallel_loop3A_232 = arith.index_cast %parallel_loop3A_226 : i32 to index
      %parallel_loop3A_233 = tpu.vector_load %arg13[%parallel_loop3A_231, %parallel_loop3A_232] {strides = array<i32>} : memref<2x4096xf32, #tpu.memory_space<vmem>>, vector<16xf32>,
      tpu.vector_store %arg13[%parallel_loop3A_231, %parallel_loop3A_232], %parallel_loop3A_229 {strides = array<i32>} : memref<2x4096xf32, #tpu.memory_space<vmem>>, vector<16xf32>,
      %parallel_loop3A_234 = tpu.vector_load_idx %arg9[%broadcast_in_dim3A_5, %parallel_loop3A_228] : memref<2x4096xf32, #tpu.memory_space<vmem>>[vector<16xi32>, vector<16xi32>], vector<16xf32>,
      %parallel_loop3A_235 = arith.constant 1 : i32
      %parallel_loop3A_236 = arith.index_cast %parallel_loop3A_235 : i32 to index
      %parallel_loop3A_237 = arith.index_cast %parallel_loop3A_226 : i32 to index
      %parallel_loop3A_238 = tpu.vector_load %arg13[%parallel_loop3A_236, %parallel_loop3A_237] {strides = array<i32>} : memref<2x4096xf32, #tpu.memory_space<vmem>>, vector<16xf32>,
      tpu.vector_store %arg13[%parallel_loop3A_236, %parallel_loop3A_237], %parallel_loop3A_234 {strides = array<i32>} : memref<2x4096xf32, #tpu.memory_space<vmem>>, vector<16xf32>,
    } {sc.loop_unroll_factor = 2 : i64, sc.parallel_access}
    %add3A_194 = arith.constant 254 : i32
    %add3A_195 = arith.addi %mul3A_2, %add3A_194 : i32
    %dma_start3A_196 = arith.constant 0 : i32
    %dma_start3A_197 = tpu.memref_slice %arg4[%add3A_195, %dma_start3A_196] : memref<8192x4096xf32, #tpu.memory_space<hbm>> -> memref<2x4096xf32, #tpu.memory_space<hbm>>
    %dma_start3A_198 = arith.constant 0 : i32
    %dma_start3A_199 = tpu.memref_slice %arg4[%add3A_195, %dma_start3A_198] : memref<8192x4096xf32, #tpu.memory_space<hbm>> -> memref<2x4096xf32, #tpu.memory_space<hbm>>
    tpu.enqueue_dma source(%arg13 : memref<2x4096xf32, #tpu.memory_space<vmem>>) target(%dma_start3A_199 : memref<2x4096xf32, #tpu.memory_space<hbm>>) target_semaphore(%arg21 : memref<!tpu.dma_semaphore, #tpu.memory_space<semaphore_mem>>)
    %add3A_200 = arith.constant 248 : i32
    %add3A_201 = arith.addi %mul3A_2, %add3A_200 : i32
    %dma_wait3A_202 = arith.constant 0 : i32
    %dma_wait3A_203 = tpu.memref_slice %arg4[%add3A_201, %dma_wait3A_202] : memref<8192x4096xf32, #tpu.memory_space<hbm>> -> memref<2x4096xf32, #tpu.memory_space<hbm>>
    %dma_wait3A_204 = arith.constant 0 : i32
    %dma_wait3A_205 = tpu.memref_slice %arg4[%add3A_201, %dma_wait3A_204] : memref<8192x4096xf32, #tpu.memory_space<hbm>> -> memref<2x4096xf32, #tpu.memory_space<hbm>>
    tpu.wait_dma2 semaphore(%arg18 : memref<!tpu.dma_semaphore, #tpu.memory_space<semaphore_mem>>) src(%arg10 : memref<2x4096xf32, #tpu.memory_space<vmem>>) dst(%dma_wait3A_205 : memref<2x4096xf32, #tpu.memory_space<hbm>>)
    %add3A_206 = arith.constant 250 : i32
    %add3A_207 = arith.addi %mul3A_2, %add3A_206 : i32
    %dma_wait3A_208 = arith.constant 0 : i32
    %dma_wait3A_209 = tpu.memref_slice %arg4[%add3A_207, %dma_wait3A_208] : memref<8192x4096xf32, #tpu.memory_space<hbm>> -> memref<2x4096xf32, #tpu.memory_space<hbm>>
    %dma_wait3A_210 = arith.constant 0 : i32
    %dma_wait3A_211 = tpu.memref_slice %arg4[%add3A_207, %dma_wait3A_210] : memref<8192x4096xf32, #tpu.memory_space<hbm>> -> memref<2x4096xf32, #tpu.memory_space<hbm>>
    tpu.wait_dma2 semaphore(%arg19 : memref<!tpu.dma_semaphore, #tpu.memory_space<semaphore_mem>>) src(%arg11 : memref<2x4096xf32, #tpu.memory_space<vmem>>) dst(%dma_wait3A_211 : memref<2x4096xf32, #tpu.memory_space<hbm>>)
    %add3A_212 = arith.constant 252 : i32
    %add3A_213 = arith.addi %mul3A_2, %add3A_212 : i32
    %dma_wait3A_214 = arith.constant 0 : i32
    %dma_wait3A_215 = tpu.memref_slice %arg4[%add3A_213, %dma_wait3A_214] : memref<8192x4096xf32, #tpu.memory_space<hbm>> -> memref<2x4096xf32, #tpu.memory_space<hbm>>
    %dma_wait3A_216 = arith.constant 0 : i32
    %dma_wait3A_217 = tpu.memref_slice %arg4[%add3A_213, %dma_wait3A_216] : memref<8192x4096xf32, #tpu.memory_space<hbm>> -> memref<2x4096xf32, #tpu.memory_space<hbm>>
    tpu.wait_dma2 semaphore(%arg20 : memref<!tpu.dma_semaphore, #tpu.memory_space<semaphore_mem>>) src(%arg12 : memref<2x4096xf32, #tpu.memory_space<vmem>>) dst(%dma_wait3A_217 : memref<2x4096xf32, #tpu.memory_space<hbm>>)
    %add3A_218 = arith.constant 254 : i32
    %add3A_219 = arith.addi %mul3A_2, %add3A_218 : i32
    %dma_wait3A_220 = arith.constant 0 : i32
    %dma_wait3A_221 = tpu.memref_slice %arg4[%add3A_219, %dma_wait3A_220] : memref<8192x4096xf32, #tpu.memory_space<hbm>> -> memref<2x4096xf32, #tpu.memory_space<hbm>>
    %dma_wait3A_222 = arith.constant 0 : i32
    %dma_wait3A_223 = tpu.memref_slice %arg4[%add3A_219, %dma_wait3A_222] : memref<8192x4096xf32, #tpu.memory_space<hbm>> -> memref<2x4096xf32, #tpu.memory_space<hbm>>
    tpu.wait_dma2 semaphore(%arg21 : memref<!tpu.dma_semaphore, #tpu.memory_space<semaphore_mem>>) src(%arg13 : memref<2x4096xf32, #tpu.memory_space<vmem>>) dst(%dma_wait3A_223 : memref<2x4096xf32, #tpu.memory_space<hbm>>)
    return
  }
}

</mosaic_0001>

<sc_bundles>
// kernel: kernel.3.cloned.1.call-start
scs
__scs_entry_jumppad:
0x0: {  	(pc) =	sbr.rel $0x88, $3  }
0x1: {  	(tag) =	ssettag $0x0;
	lr =	simm.s32 $0x1  }
0x2: {  	[smem:$0x3F9E] =	sst lr;
	_ =	strace $0xD0000000  }
0x3: {  	_ = 	snop  }
0x4: {  	_ = 	snop  }
0x5: {  	_ = 	snop  }
0x6: {  	_ = 	snop  }
0x7: {  	_ = 	snop  }
__scs_overlays_trampoline_lowered:
0x8: {  	[smem:$0x3FAD] =	sst s0  }
0x9: {  	[smem:$0x3FAE] =	sst s1  }
0xa: {  	[smem:$0x3FAF] =	sst s2  }
0xb: {  	[smem:$0x3FB0] =	sst s3  }
0xc: {  	[smem:$0x3FB1] =	sst s4  }
0xd: {  	[smem:$0x3FB2] =	sst s5  }
0xe: {  	[smem:$0x3FB3] =	sst s6  }
0xf: {  	[smem:$0x3FB4] =	sst s7  }
0x10: {  	[smem:$0x3FB5] =	sst s8  }
0x11: {  	[smem:$0x3FB6] =	sst s9;
	s0 =	simm.s32 @!p0 $0x0  }
0x12: {  	s1 =	sld [smem:$0x3F9C];
	s0 =	simm.s32 @p0 $0x1  }
0x13: {  	[smem:$0x3FB7] =	sst s0;
	s0 =	simm.s32 @!p1 $0x0  }
0x14: {  	s2 =	sld [smem:$0x3F9B];
	s0 =	simm.s32 @p1 $0x1  }
0x15: {  	[smem:$0x3FB8] =	sst s0;
	s0 =	simm.s32 @!p2 $0x0  }
0x16: {  	s3 =	sld [smem:$0x3FDB];
	s0 =	simm.s32 @p2 $0x1  }
0x17: {  	s4 =	simm.s32 $0x1BF5;
	[smem:$0x3FBA] =	sst s0  }
0x18: {  	s0 =	sld [smem:$0x3F9D];
	_ =	swait.ge [sflag:s4], $0x0  }
0x19: {  	s7 =	sld [smem:$0x3F9E]  }
0x1a: {  	s8 =	sadd.s32 $0xFFFFE003, lr  }
0x1b: {  	s9 =	sadd.s32 $0xFFFFFEF7, lr;
	s5 =	simm.s32 $0xFFFFFFFF;
	p2 =	slt.u32 s8, $0xFFFFF086  }
0x1c: {  	p1 =	slt.u32 s9, $0xF7A;
	s5 =	simm.s32 @!p2 $0x0  }
0x1d: {  	s5 =	simm.s32 @p1 $0x1;
	p0 =	seq.s32 s7, s2  }
0x1e: {  	s7 =	smul.u32 @!p0 $0xF7A, s2;
	p2 =	seq.s32 @!p0 s5, $0x0  }
0x1f: {  	s9 =	smul.u32 $0xF7A, s1;
	s8 =	simm.s32 @!p0 $0x1BF5;
	p2 =	por !p2, p0  }
0x20: {  	[sflag:s8] =	ssyncset.s32 @!p0 $0xFFFFF086;
	s6 =	sadd.s32 @!p0 s3, s7;
	s7 =	simm.s32 @!p0 $0x108  }
0x21: {  	s3 =	sadd.s32 s3, s9;
	s6 =	sadd.s32 @!p0 $0x88, s6;
	s7 =	simm.s32 @p2 $0x1082  }
0x22: {  	[simem:s7], [sflag:s8] =	dma.local @!p0 [hbm:s6], $0xF7A  }
0x23: {  	s9 =	sor.u32 $0xD0000000, s2;
	s6 =	simm.s32 $0x108;
	_ =	swait.ge @!p0 [sflag:s8], $0x0  }
0x24: {  	s3 =	sadd.s32 $0x88, s3;
	s6 =	simm.s32 @!p1 $0x1082;
	[sflag:s4] =	ssyncset.s32 $0xFFFFF086  }
0x25: {  	[simem:s6], [sflag:s4] =	dma.local [hbm:s3], $0xF7A  }
0x26: {  	[smem:$0x3F9E] =	sst s1;
	(tag) =	ssettag s2;
	_ =	strace s9  }
0x27: {  	s1 =	sld [smem:$0x3FAE]  }
0x28: {  	s2 =	sld [smem:$0x3FAF]  }
0x29: {  	s4 =	sld [smem:$0x3FB1]  }
0x2a: {  	p0 =	seq.s32 s5, $0x0;
	s5 =	sld [smem:$0x3FB2]  }
0x2b: {  	s6 =	sld [smem:$0x3FB3]  }
0x2c: {  	s7 =	sld [smem:$0x3FB4]  }
0x2d: {  	s3 =	simm.s32 $0x108;
	s8 =	sld [smem:$0x3FB5]  }
0x2e: {  	s3 =	simm.s32 @!p0 $0x1082;
	s9 =	sld [smem:$0x3FB6]  }
0x2f: {  	lr =	sadd.s32 s0, s3;
	s0 =	sld [smem:$0x3FAD]  }
0x30: {  	s3 =	sld [smem:$0x3FB0]  }
0x31: {  	[smem:$0x3FB9] =	sst s10  }
0x32: {  	s10 =	sld [smem:$0x3FB7];
	_ =	sdelay $0x3  }
0x33: {  	p0 =	seq.s32 s10, $0x1;
	s10 =	sld [smem:$0x3FB9];
	_ =	sdelay $0x3  }
0x34: {  	[smem:$0x3FB9] =	sst s10  }
0x35: {  	s10 =	sld [smem:$0x3FB8];
	_ =	sdelay $0x3  }
0x36: {  	p1 =	seq.s32 s10, $0x1;
	s10 =	sld [smem:$0x3FB9];
	_ =	sdelay $0x3  }
0x37: {  	[smem:$0x3FB9] =	sst s10  }
0x38: {  	s10 =	sld [smem:$0x3FBA]  }
0x39: {  	_ = 	snop;
	(pc) =	sbr.ind lr, $3  }
0x3a: {  	_ = 	snop  }
0x3b: {  	_ = 	snop  }
0x3c: {  	p2 =	seq.s32 s10, $0x1;
	s10 =	sld [smem:$0x3FB9]  }
0x3d: {  	_ =	shalt  }
0x3e: {  	_ =	shalt  }
0x3f: {  	_ =	shalt  }
0x40: {  	_ =	shalt  }
0x41: {  	_ =	shalt  }
0x42: {  	_ =	shalt  }
0x43: {  	_ =	shalt  }
0x44: {  	_ =	shalt  }
0x45: {  	_ =	shalt  }
0x46: {  	_ =	shalt  }
0x47: {  	_ =	shalt  }
0x48: {  	_ =	shalt  }
0x49: {  	_ =	shalt  }
0x4a: {  	_ =	shalt  }
0x4b: {  	_ =	shalt  }
0x4c: {  	_ =	shalt  }
0x4d: {  	_ =	shalt  }
0x4e: {  	_ =	shalt  }
0x4f: {  	_ =	shalt  }
0x50: {  	_ =	shalt  }
0x51: {  	_ =	shalt  }
0x52: {  	_ =	shalt  }
0x53: {  	_ =	shalt  }
0x54: {  	_ =	shalt  }
0x55: {  	_ =	shalt  }
0x56: {  	_ =	shalt  }
0x57: {  	_ =	shalt  }
0x58: {  	_ =	shalt  }
0x59: {  	_ =	shalt  }
0x5a: {  	_ =	shalt  }
0x5b: {  	_ =	shalt  }
0x5c: {  	_ =	shalt  }
0x5d: {  	_ =	shalt  }
0x5e: {  	_ =	shalt  }
0x5f: {  	_ =	shalt  }
0x60: {  	_ =	shalt  }
0x61: {  	_ =	shalt  }
0x62: {  	_ =	shalt  }
0x63: {  	_ =	shalt  }
0x64: {  	_ =	shalt  }
0x65: {  	_ =	shalt  }
0x66: {  	_ =	shalt  }
0x67: {  	_ =	shalt  }
0x68: {  	_ =	shalt  }
0x69: {  	_ =	shalt  }
0x6a: {  	_ =	shalt  }
0x6b: {  	_ =	shalt  }
0x6c: {  	_ =	shalt  }
0x6d: {  	_ =	shalt  }
0x6e: {  	_ =	shalt  }
0x6f: {  	_ =	shalt  }
0x70: {  	_ =	shalt  }
0x71: {  	_ =	shalt  }
0x72: {  	_ =	shalt  }
0x73: {  	_ =	shalt  }
0x74: {  	_ =	shalt  }
0x75: {  	_ =	shalt  }
0x76: {  	_ =	shalt  }
0x77: {  	_ =	shalt  }
0x78: {  	_ =	shalt  }
0x79: {  	_ =	shalt  }
0x7a: {  	_ =	shalt  }
0x7b: {  	_ =	shalt  }
0x7c: {  	_ =	shalt  }
0x7d: {  	_ =	shalt  }
0x7e: {  	_ =	shalt  }
0x7f: {  	_ =	shalt  }
0x80: {  	_ =	shalt  }
0x81: {  	_ =	shalt  }
0x82: {  	_ =	shalt  }
0x83: {  	_ =	shalt  }
0x84: {  	_ =	shalt  }
0x85: {  	_ =	shalt  }
0x86: {  	_ =	shalt  }
0x87: {  	_ =	shalt  }
.Lfunc_end0:
.L_simem_size_0:
called_computation_lowered:
.L_overlay_start_0:
0x88: {  	s2 =	sld [smem:$0x3FD9]  }
0x89: {  	s3 =	sld [smem:$0x3FFE];
	_ =	sdelay $0x1  }
0x8a: {  	s1 =	srdreg.scid  }
0x8b: {  	s0 =	sand.u32 $0x1, s1  }
0x8c: {  	s15 =	sshll.u32 s0, $0xA;
	s2 =	sadd.s32 s3, s2  }
0x8d: {  	s2 =	sadd.s32 s2, s15  }
0x8e: {  	[smem:$0x3FC5] =	sst s2  }
0x8f: {  	_ = 	snop  }
0x90: {  	s2 =	sld [smem:$0x3FD0];
	_ =	sdelay $0x1  }
0x91: {  	s16 =	sld [smem:$0x3FC9]  }
0x92: {  	s5 =	simm.s32 $0xA;
	s6 =	simm.s32 $0x10;
	s4 =	sld [smem:$0x3FC7]  }
0x93: {  	[smem:s6], [sflag:s5] =	dma.local [hbm:s2], $0x1  }
0x94: {  	_ =	swait.eq [sflag:s5], $0x1  }
0x95: {  	[sflag:s5] =	ssyncset.done $0x0  }
0x96: {  	[sflag:s5] =	ssyncadd.s32 $0xFFFFFFFF  }
0x97: {  	s17 =	sld [smem:$0x10];
	(tm) =	ssettm $0x1  }
0x98: {  	s18 =	sld [smem:$0x3FFB];
	_ =	sdelay $0x3  }
0x99: {  	_ =	strace s18  }
0x9a: {  	s5 =	sld [smem:$0x3FFC];
	_ =	sdelay $0x3  }
0x9b: {  	_ =	strace s5  }
0x9c: {  	s5 =	sld [smem:$0x3FFD];
	_ =	sdelay $0x3  }
0x9d: {  	_ =	strace s5  }
0x9e: {  	_ =	strace $0x8FFFFFFF  }
0x9f: {  	s19 =	sld [smem:$0x3FDB];
	_ =	sdelay $0x1  }
0xa0: {  	s20 =	simm.s32 $_scs_section_size  }
0xa1: {  	s7 =	simm.s32 $_size__tile_overlayer_lowered;
	s8 =	simm.s32 $_tile_overlayer_lowered  }
0xa2: {  	s23 =	simm.s32 $0x1BFF;
	s22 =	sshll.u32 s8, $0x1;
	s5 =	sadd.s32 s20, s19  }
0xa3: {  	s9 =	simm.s32 $0x0;
	s21 =	sshll.u32 s7, $0x1;
	s7 =	sadd.s32 s22, s5  }
0xa4: {  	[timem:s9], [sflag:s23] =	dma.local [hbm:s7], s21  }
0xa5: {  	_ =	swait.ge [sflag:s23], s21  }
0xa6: {  	s6 =	ssub.s32 $0x0, s21;
	[sflag:s23] =	ssyncset.done $0x0  }
0xa7: {  	[sflag:s23] =	ssyncadd.s32 s6;
	_ =	sdelay $0x1  }
0xa8: {  	s24 =	simm.s32 $0x1B8B  }
0xa9: {  	_ =	swait.ge [sflag:s24], $0x1  }
0xaa: {  	[sflag:s24] =	ssyncset.done $0x0  }
0xab: {  	s25 =	simm.s32 $0x1B8E;
	[sflag:s24] =	ssyncadd.s32 $0xFFFFFFFF  }
0xac: {  	s26 =	simm.s32 $execute0_lowered;
	[smem:$0x3FD2] =	sst s25  }
0xad: {  	s6 =	sshll.u32 s26, $0x1;
	_ =	strace $0x80000046;
	[dreg:$0x1] =	wrdreg $0xFFFFFFFF  }
0xae: {  	s28 =	simm.s32 $_size_execute0_lowered;
	s5 =	sadd.s32 s5, s6;
	[dreg:$0x0] =	wrdreg $0x0  }
0xaf: {  	s6 =	sshll.u32 s28, $0x1;
	[dreg:$0x2] =	wrdreg s5  }
0xb0: {  	[dreg:$0x3] =	wrdreg s6  }
0xb1: {  	[dreg:$0x4] =	wrdreg $0xC0  }
0xb2: {  	_ =	task [dreg:s9], $0x5FFFF  }
0xb3: {  	[dreg:$0x1] =	wrdreg $0xFFFFFFFF  }
0xb4: {  	[dreg:$0x0] =	wrdreg $0x60  }
0xb5: {  	[dreg:$0x2] =	wrdreg s16  }
0xb6: {  	[dreg:$0x3] =	wrdreg s4  }
0xb7: {  	[dreg:$0x4] =	wrdreg s17  }
0xb8: {  	[dreg:$0x5] =	wrdreg $0x9  }
0xb9: {  	_ =	task.clear_ibuf [dreg:s9], $0x6FFFF;
	_ =	strace $0x90000046  }
0xba: {  	s29 =	simm.s32 $0x9;
	_ =	strace $0x80000048  }
0xbb: {  	_ =	swait.ge [sflag:s29], $0x1  }
0xbc: {  	[sflag:s29] =	ssyncadd.s32 $0xFFFFFFFF  }
0xbd: {  	_ =	strace $0x90000048  }
0xbe: {  	_ =	sfence  }
0xbf: {  	s30 =	sld [smem:$0x0];
	_ =	sdelay $0x2  }
0xc0: {  	s31 =	sshll.u32 s1, $0xD;
	s1 =	sshrl.u32 s1, $0x2  }
0xc1: {  	s3 =	sand.u32 $0x4000, s31;
	s1 =	sadd.s32 s1, s30  }
0xc2: {  	s0 =	sor.u32 s3, s0;
	s1 =	sshll.u32 s1, $0x11  }
0xc3: {  	s0 =	sor.u32 s1, s0  }
0xc4: {  	s0 =	sadd.s32 $0x8F2B, s0  }
0xc5: {  	[sflag:s0] =	ssyncadd.remote.s32 $0x1  }
0xc6: {  	_ =	sfence.sel $0xFFFF  }
0xc7: {  	[dreg:$0x0] =	wrdreg $0xFFFFFFFF;
	(pc) =	sbr.abs _section_cstart, $3  }
0xc8: {  	[dreg:$0x1] =	wrdreg $0xFFFFFFFF  }
0xc9: {  	_ =	task.clear_ibuf [dreg:s9], $0x2FFFF;
	_ =	strace $0x9FFFFFFF  }
0xca: {  	(tm) =	ssettm $0x7FFFFFFF  }
0xcb: {  	_ =	shalt  }
tec
execute0_lowered:
.L_overlay_start_1:
0x0: {  	(tag) =	ssettag $0x1  }
0x1: {  	s5 =	rddreg [dreg:$0x0]  }
0x2: {  	s6 =	rddreg [dreg:$0x2]  }
0x3: {  	s0 =	srdreg.scid;
	s3 =	simm.s32 $0x0;
	s2 =	stileid.u32  }
0x4: {  	s0 =	sand.u32 $0x1, s0;
	[smem:$0x7FF] =	sst s3;
	s16 =	sadd.s32 $0x20, s6  }
0x5: {  	s17 =	sadd.s32 $0x20, s5;
	_ =	strace $0x80000047;
	[dreg:$0x12] =	wrdreg s16  }
0x6: {  	s2 =	sshll.u32 s2, $0x9;
	s18 =	sadd.s32 $0x40, s6;
	[dreg:$0x13] =	wrdreg s17  }
0x7: {  	s19 =	sadd.s32 $0x40, s5;
	s20 =	sadd.s32 $0x60, s6;
	[dreg:$0x14] =	wrdreg s18  }
0x8: {  	s1 =	ssub.s32 $0x2, s0;
	s0 =	sshll.u32 s0, $0x8;
	[dreg:$0x15] =	wrdreg s19  }
0x9: {  	[dreg:$0x16] =	wrdreg s20;
	s0 =	sor.u32 s0, s2  }
0xa: {  	s22 =	sshrl.u32 s1, $0x1;
	s7 =	sshll.u32 s0, $0x9;
	s0 =	sshrl.u32 s0, $0x3  }
0xb: {  	s1 =	ssub.s32 s1, s22;
	s22 =	sadd.s32 $0x60, s5;
	[dreg:$0x11] =	wrdreg s0  }
0xc: {  	[dreg:$0x18] =	wrdreg s22  }
0xd: {  	s8 =	sadd.s32 s5, s7;
	[dreg:$0x4] =	wrdreg s7  }
0xe: {  	s21 =	smax.u32 s1, $0x1;
	[dreg:$0x5] =	wrdreg s8  }
0xf: {  	s23 =	sor.u32 $0x20, s7;
	s29 =	sadd.s32 s6, s7;
	[dreg:$0x17] =	wrdreg s21  }
0x10: {  	s24 =	sor.u32 $0x40, s7;
	s4 =	sadd.s32 s5, s23;
	[dreg:$0x9] =	wrdreg s29  }
0x11: {  	s26 =	sor.u32 $0x60, s7;
	s25 =	sadd.s32 s5, s24;
	[dreg:$0x6] =	wrdreg s4  }
0x12: {  	s9 =	sadd.s32 s5, s26;
	[dreg:$0x7] =	wrdreg s25  }
0x13: {  	s10 =	sadd.s32 $0x1000, s8;
	[dreg:$0x8] =	wrdreg s9  }
0x14: {  	s2 =	sadd.s32 s6, s23;
	[dreg:$0xa] =	wrdreg s10  }
0x15: {  	s11 =	sadd.s32 $0x1020, s8;
	[dreg:$0xb] =	wrdreg s2  }
0x16: {  	s28 =	simm.s32 $0x4;
	s12 =	sadd.s32 s6, s24;
	[dreg:$0xc] =	wrdreg s11  }
0x17: {  	s30 =	simm.s32 $0x5;
	s13 =	sadd.s32 $0x1040, s8;
	[dreg:$0xd] =	wrdreg s12  }
0x18: {  	s31 =	simm.s32 $0x6;
	s14 =	sadd.s32 s6, s26;
	[dreg:$0xe] =	wrdreg s13  }
0x19: {  	s16 =	simm.s32 $0x2;
	s15 =	sadd.s32 $0x1060, s8;
	[dreg:$0xf] =	wrdreg s14  }
0x1a: {  	s18 =	simm.s32 $0x3;
	s23 =	sadd.s32 $0x1F000, s29;
	[dreg:$0x10] =	wrdreg s15  }
0x1b: {  	s1 =	simm.s32 $0x0;
	s24 =	sadd.s32 $0x1F020, s29;
	[dreg:$0x19] =	wrdreg s23  }
0x1c: {  	s26 =	sadd.s32 $0x1F060, s29;
	s8 =	simm.s32 $0x400;
	[dreg:$0x1a] =	wrdreg s24  }
0x1d: {  	s25 =	sadd.s32 $0x1F040, s29;
	[dreg:$0x1c] =	wrdreg s26;
	s29 =	sor.u32 $0x1000, s7  }
0x1e: {  	s2 =	simm.s32 $0x100;
	s9 =	simm.s32 $0x1000;
	s10 =	simm.s32 $0x3000  }
0x1f: {  	s12 =	simm.s32 $0x5000;
	s13 =	simm.s32 $0x7000;
	[dreg:$0x1b] =	wrdreg s25  }
0x20: {  	s7 =	simm.s32 $0x7;
	s11 =	simm.s32 $0x8;
	[dreg:$0x1d] =	wrdreg s29  }
.LBB2_1:
0x21: {  	[dreg:$0x1e] =	wrdreg s1  }
0x22: {  	s0 =	rddreg [dreg:$0x1];
	s14 =	simm.s32 $0x0;
	s17 =	simm.s32 $0x9  }
0x23: {  	[tilespmem:s14], [sflag:$0x9] =	stream.linear.gather [hbm4b:s0+s14], $0x1000, $0x38;
	[tilespmem:$0x11000] =	vst v63  }
0x24: {  	_ =	swait.ge [sflag:s17], $0x1000  }
0x25: {  	[sflag:s17] =	ssyncset.done $0x0  }
0x26: {  	s19 =	rddreg [dreg:$0x5];
	[sflag:s17] =	ssyncadd.s32 $0xFFFFF000  }
0x27: {  	[tilespmem:s9], [sflag:$0x1] =	stream.strided.gather [hbm4b:s19+s2], $0x2000, s8, s2, $0x38;
	[tilespmem:$0x11000] =	vst v63  }
0x28: {  	s20 =	rddreg [dreg:$0x6]  }
0x29: {  	[tilespmem:s10], [sflag:$0x2] =	stream.strided.gather [hbm4b:s20+s2], $0x2000, s8, s2, $0x38;
	[tilespmem:$0x11000] =	vst v63  }
0x2a: {  	s21 =	rddreg [dreg:$0x7]  }
0x2b: {  	[tilespmem:s12], [sflag:$0x3] =	stream.strided.gather [hbm4b:s21+s2], $0x2000, s8, s2, $0x38;
	[tilespmem:$0x11000] =	vst v63  }
0x2c: {  	s23 =	simm.s32 $0x1;
	s22 =	rddreg [dreg:$0x8]  }
0x2d: {  	[tilespmem:s13], [sflag:$0x4] =	stream.strided.gather [hbm4b:s22+s2], $0x2000, s8, s2, $0x38;
	[tilespmem:$0x11000] =	vst v63  }
0x2e: {  	s17 =	sand.u32 $0x60, s14;
	_ =	swait.ge [sflag:s23], $0x2000  }
0x2f: {  	s24 =	sand.u32 $0xF80, s14;
	s5 =	sor.u32 $0x10, s17;
	[sflag:s23] =	ssyncset.done $0x0  }
0x30: {  	s1 =	sor.u32 s5, s24;
	[sflag:s23] =	ssyncadd.s32 $0xFFFFE000  }
0x31: {  	v0 =	vld [tilespmem:s1+$0x0]  }
0x32: {  	s25 =	simm.s32 $0x20  }
0x33: {  	s3 =	sand.u32 $0x60, s25;
	v1 =	vld [tilespmem:s14+$0x0]  }
0x34: {  	s4 =	sand.u32 $0xF80, s25;
	s6 =	sor.u32 $0x10, s3  }
0x35: {  	s26 =	sor.u32 s6, s4;
	v2 =	vld [tilespmem:s25+$0x0]  }
0x36: {  	v4 =	vld [tilespmem:s26+$0x0];
	v3 =	vshll.u32 v0, $0x1  }
0x37: {  	v0 =	vand.u32 $0x7F, v0;
	v3 =	vand.u32 $0xFFFFFF00, v3  }
0x38: {  	s15 =	simm.s32 $0x40;
	v3 =	vor.u32 v0, v3;
	v0 =	vshll.u32 v1, $0x1  }
0x39: {  	s1 =	sand.u32 $0x60, s15;
	v1 =	vand.u32 $0x7F, v1;
	v0 =	vand.u32 $0xFFFFFF00, v0  }
0x3a: {  	s19 =	sand.u32 $0xF80, s15;
	s4 =	sor.u32 $0x10, s1;
	v1 =	vor.u32 v1, v0;
	v0 =	vshll.u32 v2, $0x1  }
0x3b: {  	s19 =	sor.u32 s4, s19;
	v5 =	vshll.u32 v4, $0x1;
	v2 =	vand.u32 $0x7F, v2;
	v0 =	vand.u32 $0xFFFFFF00, v0  }
0x3c: {  	v0 =	vor.u32 v2, v0;
	v2 =	vand.u32 $0x7F, v4;
	v4 =	vand.u32 $0xFFFFFF00, v5;
	v5 =	vld [tilespmem:s19+$0x0]  }
0x3d: {  	v6 =	vld.idx.msk [tilespmem:v3+s9+$0x0], $0xffff  }
0x3e: {  	v2 =	vor.u32 v2, v4  }
0x3f: {  	s29 =	sand.u32 $0x1F00, s14;
	v8 =	vld [tilespmem:s15+$0x0];
	v3 =	vor.u32 $0x80, v3  }
0x40: {  	s20 =	simm.s32 $0x60;
	s21 =	sadd.s32 $0x9000, s29;
	v9 =	vld.idx.msk [tilespmem:v1+s9+$0x0], $0xffff  }
0x41: {  	v7 =	vld [tilespmem:s20+$0x0];
	v11 =	vor.u32 $0x80, v1;
	s19 =	sor.u32 s5, s21  }
0x42: {  	s5 =	sand.u32 $0x60, s20;
	v1 =	vld.idx.msk [tilespmem:v0+s9+$0x0], $0xffff;
	[tilespmem:s19+$0x0] =	vst v6;
	v6 =	vshll.u32 v5, $0x1  }
0x43: {  	s22 =	sand.u32 $0xF80, s20;
	s15 =	sor.u32 $0x10, s5;
	v4 =	vld.idx.msk [tilespmem:v2+s9+$0x0], $0xffff;
	v6 =	vand.u32 $0xFFFFFF00, v6  }
0x44: {  	s17 =	sor.u32 s17, s21;
	v10 =	vshll.u32 v8, $0x1;
	s21 =	simm.s32 $0x40;
	s22 =	sor.u32 s15, s22;
	v5 =	vand.u32 $0x7F, v5;
	v3 =	vld.idx.msk [tilespmem:v3+s9+$0x0], $0xffff  }
0x45: {  	v8 =	vand.u32 $0x7F, v8;
	v12 =	vand.u32 $0xFFFFFF00, v10;
	s24 =	sand.u32 $0x1F00, s21;
	[tilespmem:s17+$0x0] =	vst v9;
	v9 =	vld [tilespmem:s22+$0x0];
	v10 =	vor.u32 v5, v6  }
0x46: {  	s23 =	simm.s32 $0x80;
	v8 =	vor.u32 v8, v12;
	s24 =	sadd.s32 $0x9000, s24;
	s22 =	simm.s32 $0x6;
	v5 =	vor.u32 $0x80, v2;
	v2 =	vld.idx.msk [tilespmem:v11+s9+$0x0], $0xffff;
	v6 =	vmov v10  }
.LBB2_2:
0x47: {  	s20 =	sadd.s32 $0x20, s20;
	s25 =	sor.u32 s3, s24  }
0x48: {  	v11 =	vld [tilespmem:s23+$0x0];
	v12 =	vor.u32 $0x80, v0;
	s6 =	sor.u32 s6, s24;
	v13 =	vmov v1;
	v0 =	vmov v8;
	s3 =	smov.u32 s1;
	s22 =	sadd.s32 $0x2, s22  }
0x49: {  	v14 =	vshll.u32 v7, $0x1;
	s1 =	smov.u32 s5;
	v1 =	vld.idx.msk [tilespmem:v8+s9+$0x0], $0xffff;
	[tilespmem:s6+$0x0] =	vst v4;
	s5 =	sand.u32 $0x60, s20;
	p0 =	slt.u32 s22, $0xFE  }
.Ltmp0:
0x4a: {  	v7 =	vand.u32 $0x7F, v7;
	s26 =	sand.u32 $0xF80, s20;
	v8 =	vand.u32 $0xFFFFFF00, v14;
	s24 =	sor.u32 $0x10, s5;
	v14 =	vshll.u32 v9, $0x1;
	v4 =	vld.idx.msk [tilespmem:v10+s9+$0x0], $0xffff;
	[tilespmem:s19+$0x80] =	vst v3;
	(pc) =	sbr.rel @p0 .LBB2_2-.Ltmp0, $4  }
0x4b: {  	v8 =	vor.u32 v7, v8;
	v15 =	vand.u32 $0x7F, v9;
	s19 =	smov.u32 s6;
	s26 =	sor.u32 s24, s26;
	v10 =	vand.u32 $0xFFFFFF00, v14;
	[tilespmem:s25+$0x0] =	vst v13;
	v3 =	vld.idx.msk [tilespmem:v5+s9+$0x0], $0xffff  }
0x4c: {  	s21 =	sadd.s32 $0x40, s21;
	s6 =	smov.u32 s4;
	v9 =	vld [tilespmem:s26+$0x0];
	v10 =	vor.u32 v15, v10;
	[tilespmem:s17+$0x80] =	vst v2;
	s17 =	smov.u32 s25  }
0x4d: {  	s4 =	smov.u32 s15;
	v5 =	vor.u32 $0x80, v6;
	s15 =	smov.u32 s24;
	s25 =	sand.u32 $0x1F00, s21;
	v2 =	vld.idx.msk [tilespmem:v12+s9+$0x0], $0xffff;
	v7 =	vmov v11;
	v6 =	vmov v10  }
0x4e: {  	s23 =	sadd.s32 $0x20, s23;
	s24 =	sadd.s32 $0x9000, s25  }
0x4f: {  	_ = 	snop  }
0x50: {  	v12 =	vshll.u32 v7, $0x1  }
0x51: {  	v7 =	vand.u32 $0x7F, v7;
	v12 =	vand.u32 $0xFFFFFF00, v12;
	v11 =	vshll.u32 v9, $0x1  }
0x52: {  	v9 =	vand.u32 $0x7F, v9;
	v7 =	vor.u32 v7, v12;
	v11 =	vand.u32 $0xFFFFFF00, v11  }
0x53: {  	v9 =	vor.u32 v9, v11  }
0x54: {  	s6 =	sor.u32 s6, s24  }
0x55: {  	v0 =	vor.u32 $0x80, v0;
	v10 =	vld.idx.msk [tilespmem:v10+s9+$0x0], $0xffff;
	[tilespmem:s6+$0x0] =	vst v4  }
0x56: {  	s20 =	sadd.s32 $0x40, s21;
	s3 =	sor.u32 s3, s24;
	v4 =	vor.u32 $0x80, v6;
	[tilespmem:s19+$0x80] =	vst v3;
	v11 =	vld.idx.msk [tilespmem:v8+s9+$0x0], $0xffff  }
0x57: {  	s23 =	sand.u32 $0x1F00, s20;
	v3 =	vor.u32 $0x80, v8;
	[tilespmem:s3+$0x0] =	vst v1;
	v1 =	vld.idx.msk [tilespmem:v7+s9+$0x0], $0xffff  }
0x58: {  	s20 =	sadd.s32 $0x40, s20;
	s19 =	sadd.s32 $0x9000, s23;
	[tilespmem:s17+$0x80] =	vst v2;
	v2 =	vor.u32 $0x80, v7;
	v6 =	vld.idx.msk [tilespmem:v9+s9+$0x0], $0xffff  }
0x59: {  	v5 =	vld.idx.msk [tilespmem:v5+s9+$0x0], $0xffff;
	s24 =	sand.u32 $0x1F00, s20;
	s4 =	sor.u32 s4, s19;
	v8 =	vor.u32 $0x80, v9  }
0x5a: {  	s1 =	sor.u32 s1, s19;
	s17 =	sadd.s32 $0x9000, s24;
	v0 =	vld.idx.msk [tilespmem:v0+s9+$0x0], $0xffff;
	[tilespmem:s4+$0x0] =	vst v10  }
0x5b: {  	s5 =	sor.u32 s5, s17;
	v4 =	vld.idx.msk [tilespmem:v4+s9+$0x0], $0xffff;
	[tilespmem:s1+$0x0] =	vst v11  }
0x5c: {  	s15 =	sor.u32 s15, s17;
	v3 =	vld.idx.msk [tilespmem:v3+s9+$0x0], $0xffff;
	[tilespmem:s5+$0x0] =	vst v1  }
0x5d: {  	v2 =	vld.idx.msk [tilespmem:v2+s9+$0x0], $0xffff;
	[tilespmem:s15+$0x0] =	vst v6  }
0x5e: {  	[tilespmem:s6+$0x80] =	vst v5;
	v1 =	vld.idx.msk [tilespmem:v8+s9+$0x0], $0xffff  }
0x5f: {  	[tilespmem:s3+$0x80] =	vst v0  }
0x60: {  	[tilespmem:s4+$0x80] =	vst v4  }
0x61: {  	[tilespmem:s1+$0x80] =	vst v3  }
0x62: {  	[tilespmem:s5+$0x80] =	vst v2  }
0x63: {  	[tilespmem:s15+$0x80] =	vst v1  }
0x64: {  	s25 =	simm.s32 $0x9000;
	s0 =	rddreg [dreg:$0x9]  }
0x65: {  	[hbm4b:s0+s2] =	stream.strided.scatter [tilespmem:s25], [sflag:$0x5], $0x2000, s8, s2, $0x38;
	[tilespmem:$0x11000] =	vst v63  }
0x66: {  	s29 =	simm.s32 $0x0;
	s26 =	rddreg [dreg:$0xa]  }
0x67: {  	[tilespmem:s9], [sflag:$0x1] =	stream.strided.gather [hbm4b:s26+s2], $0x2000, s8, s2, $0x38;
	[tilespmem:$0x11000] =	vst v63  }
0x68: {  	s0 =	sand.u32 $0x60, s29;
	_ =	swait.ge [sflag:s16], $0x2000  }
0x69: {  	s20 =	sand.u32 $0xF80, s29;
	s14 =	sor.u32 $0x10, s0;
	[sflag:s16] =	ssyncset.done $0x0  }
0x6a: {  	s1 =	sor.u32 s14, s20;
	[sflag:s16] =	ssyncadd.s32 $0xFFFFE000  }
0x6b: {  	v0 =	vld [tilespmem:s1+$0x0]  }
0x6c: {  	s21 =	simm.s32 $0x20  }
0x6d: {  	s3 =	sand.u32 $0x60, s21;
	v1 =	vld [tilespmem:s29+$0x0]  }
0x6e: {  	s22 =	sand.u32 $0xF80, s21;
	s6 =	sor.u32 $0x10, s3  }
0x6f: {  	s23 =	sor.u32 s6, s22;
	v2 =	vld [tilespmem:s21+$0x0]  }
0x70: {  	v4 =	vld [tilespmem:s23+$0x0];
	v3 =	vshll.u32 v0, $0x1  }
0x71: {  	v0 =	vand.u32 $0x7F, v0;
	v3 =	vand.u32 $0xFFFFFF00, v3  }
0x72: {  	s24 =	simm.s32 $0x40;
	v3 =	vor.u32 v0, v3;
	v0 =	vshll.u32 v1, $0x1  }
0x73: {  	s1 =	sand.u32 $0x60, s24;
	v1 =	vand.u32 $0x7F, v1;
	v0 =	vand.u32 $0xFFFFFF00, v0  }
0x74: {  	s25 =	sand.u32 $0xF80, s24;
	s4 =	sor.u32 $0x10, s1;
	v1 =	vor.u32 v1, v0;
	v0 =	vshll.u32 v2, $0x1  }
0x75: {  	s20 =	sor.u32 s4, s25;
	v5 =	vshll.u32 v4, $0x1;
	v2 =	vand.u32 $0x7F, v2;
	v0 =	vand.u32 $0xFFFFFF00, v0  }
0x76: {  	v0 =	vor.u32 v2, v0;
	v2 =	vand.u32 $0x7F, v4;
	v4 =	vand.u32 $0xFFFFFF00, v5;
	v5 =	vld [tilespmem:s20+$0x0]  }
0x77: {  	v6 =	vld.idx.msk [tilespmem:v3+s10+$0x0], $0xffff  }
0x78: {  	v2 =	vor.u32 v2, v4  }
0x79: {  	s5 =	sand.u32 $0x1F00, s29;
	v8 =	vld [tilespmem:s24+$0x0];
	v3 =	vor.u32 $0x80, v3  }
0x7a: {  	s26 =	sadd.s32 $0xB000, s5;
	s20 =	simm.s32 $0x60;
	v9 =	vld.idx.msk [tilespmem:v1+s10+$0x0], $0xffff  }
0x7b: {  	s19 =	sor.u32 s14, s26;
	v11 =	vor.u32 $0x80, v1;
	v7 =	vld [tilespmem:s20+$0x0]  }
0x7c: {  	s5 =	sand.u32 $0x60, s20;
	v1 =	vld.idx.msk [tilespmem:v0+s10+$0x0], $0xffff;
	[tilespmem:s19+$0x0] =	vst v6;
	v6 =	vshll.u32 v5, $0x1  }
0x7d: {  	s22 =	sand.u32 $0xF80, s20;
	s15 =	sor.u32 $0x10, s5;
	v4 =	vld.idx.msk [tilespmem:v2+s10+$0x0], $0xffff;
	v6 =	vand.u32 $0xFFFFFF00, v6  }
0x7e: {  	s17 =	sor.u32 s0, s26;
	s21 =	simm.s32 $0x40;
	v10 =	vshll.u32 v8, $0x1;
	s22 =	sor.u32 s15, s22;
	v5 =	vand.u32 $0x7F, v5;
	v3 =	vld.idx.msk [tilespmem:v3+s10+$0x0], $0xffff  }
0x7f: {  	s29 =	sand.u32 $0x1F00, s21;
	v8 =	vand.u32 $0x7F, v8;
	v63 =	vand.u32 $0xFFFFFF00, v10;
	[tilespmem:s17+$0x0] =	vst v9;
	v9 =	vld [tilespmem:s22+$0x0];
	v10 =	vor.u32 v5, v6  }
0x80: {  	s23 =	simm.s32 $0x80;
	s24 =	sadd.s32 $0xB000, s29;
	v8 =	vor.u32 v8, v63;
	s22 =	simm.s32 $0x6;
	v5 =	vor.u32 $0x80, v2;
	v2 =	vld.idx.msk [tilespmem:v11+s10+$0x0], $0xffff;
	v6 =	vmov v10  }
.LBB2_4:
0x81: {  	s20 =	sadd.s32 $0x20, s20;
	s25 =	sor.u32 s3, s24  }
0x82: {  	v11 =	vld [tilespmem:s23+$0x0];
	v12 =	vor.u32 $0x80, v0;
	s6 =	sor.u32 s6, s24;
	v13 =	vmov v1;
	v0 =	vmov v8;
	s3 =	smov.u32 s1;
	s22 =	sadd.s32 $0x2, s22  }
0x83: {  	v14 =	vshll.u32 v7, $0x1;
	s1 =	smov.u32 s5;
	v1 =	vld.idx.msk [tilespmem:v8+s10+$0x0], $0xffff;
	[tilespmem:s6+$0x0] =	vst v4;
	s5 =	sand.u32 $0x60, s20;
	p0 =	slt.u32 s22, $0xFE  }
.Ltmp1:
0x84: {  	v7 =	vand.u32 $0x7F, v7;
	s26 =	sand.u32 $0xF80, s20;
	v8 =	vand.u32 $0xFFFFFF00, v14;
	s24 =	sor.u32 $0x10, s5;
	v14 =	vshll.u32 v9, $0x1;
	v4 =	vld.idx.msk [tilespmem:v10+s10+$0x0], $0xffff;
	[tilespmem:s19+$0x80] =	vst v3;
	(pc) =	sbr.rel @p0 .LBB2_4-.Ltmp1, $4  }
0x85: {  	v8 =	vor.u32 v7, v8;
	v15 =	vand.u32 $0x7F, v9;
	s19 =	smov.u32 s6;
	s26 =	sor.u32 s24, s26;
	v10 =	vand.u32 $0xFFFFFF00, v14;
	[tilespmem:s25+$0x0] =	vst v13;
	v3 =	vld.idx.msk [tilespmem:v5+s10+$0x0], $0xffff  }
0x86: {  	s21 =	sadd.s32 $0x40, s21;
	s6 =	smov.u32 s4;
	v9 =	vld [tilespmem:s26+$0x0];
	v10 =	vor.u32 v15, v10;
	[tilespmem:s17+$0x80] =	vst v2;
	s17 =	smov.u32 s25  }
0x87: {  	s4 =	smov.u32 s15;
	v5 =	vor.u32 $0x80, v6;
	s15 =	smov.u32 s24;
	s25 =	sand.u32 $0x1F00, s21;
	v2 =	vld.idx.msk [tilespmem:v12+s10+$0x0], $0xffff;
	v7 =	vmov v11;
	v6 =	vmov v10  }
0x88: {  	s23 =	sadd.s32 $0x20, s23;
	s24 =	sadd.s32 $0xB000, s25  }
0x89: {  	_ = 	snop  }
0x8a: {  	v12 =	vshll.u32 v7, $0x1  }
0x8b: {  	v7 =	vand.u32 $0x7F, v7;
	v12 =	vand.u32 $0xFFFFFF00, v12;
	v11 =	vshll.u32 v9, $0x1  }
0x8c: {  	v9 =	vand.u32 $0x7F, v9;
	v7 =	vor.u32 v7, v12;
	v11 =	vand.u32 $0xFFFFFF00, v11  }
0x8d: {  	v9 =	vor.u32 v9, v11  }
0x8e: {  	s6 =	sor.u32 s6, s24  }
0x8f: {  	v0 =	vor.u32 $0x80, v0;
	v10 =	vld.idx.msk [tilespmem:v10+s10+$0x0], $0xffff;
	[tilespmem:s6+$0x0] =	vst v4  }
0x90: {  	s20 =	sadd.s32 $0x40, s21;
	s3 =	sor.u32 s3, s24;
	v4 =	vor.u32 $0x80, v6;
	[tilespmem:s19+$0x80] =	vst v3;
	v11 =	vld.idx.msk [tilespmem:v8+s10+$0x0], $0xffff  }
0x91: {  	s23 =	sand.u32 $0x1F00, s20;
	v3 =	vor.u32 $0x80, v8;
	[tilespmem:s3+$0x0] =	vst v1;
	v1 =	vld.idx.msk [tilespmem:v7+s10+$0x0], $0xffff  }
0x92: {  	s20 =	sadd.s32 $0x40, s20;
	s19 =	sadd.s32 $0xB000, s23;
	[tilespmem:s17+$0x80] =	vst v2;
	v2 =	vor.u32 $0x80, v7;
	v6 =	vld.idx.msk [tilespmem:v9+s10+$0x0], $0xffff  }
0x93: {  	v5 =	vld.idx.msk [tilespmem:v5+s10+$0x0], $0xffff;
	s24 =	sand.u32 $0x1F00, s20;
	s4 =	sor.u32 s4, s19;
	v8 =	vor.u32 $0x80, v9  }
0x94: {  	s1 =	sor.u32 s1, s19;
	s17 =	sadd.s32 $0xB000, s24;
	v0 =	vld.idx.msk [tilespmem:v0+s10+$0x0], $0xffff;
	[tilespmem:s4+$0x0] =	vst v10  }
0x95: {  	s5 =	sor.u32 s5, s17;
	v4 =	vld.idx.msk [tilespmem:v4+s10+$0x0], $0xffff;
	[tilespmem:s1+$0x0] =	vst v11  }
0x96: {  	s15 =	sor.u32 s15, s17;
	v3 =	vld.idx.msk [tilespmem:v3+s10+$0x0], $0xffff;
	[tilespmem:s5+$0x0] =	vst v1  }
0x97: {  	v2 =	vld.idx.msk [tilespmem:v2+s10+$0x0], $0xffff;
	[tilespmem:s15+$0x0] =	vst v6  }
0x98: {  	[tilespmem:s6+$0x80] =	vst v5;
	v1 =	vld.idx.msk [tilespmem:v8+s10+$0x0], $0xffff  }
0x99: {  	[tilespmem:s3+$0x80] =	vst v0  }
0x9a: {  	[tilespmem:s4+$0x80] =	vst v4  }
0x9b: {  	[tilespmem:s1+$0x80] =	vst v3  }
0x9c: {  	[tilespmem:s5+$0x80] =	vst v2  }
0x9d: {  	[tilespmem:s15+$0x80] =	vst v1  }
0x9e: {  	s25 =	simm.s32 $0xB000;
	s0 =	rddreg [dreg:$0xb]  }
0x9f: {  	[hbm4b:s0+s2] =	stream.strided.scatter [tilespmem:s25], [sflag:$0x6], $0x2000, s8, s2, $0x38;
	[tilespmem:$0x11000] =	vst v63  }
0xa0: {  	s29 =	simm.s32 $0x0;
	s26 =	rddreg [dreg:$0xc]  }
0xa1: {  	[tilespmem:s10], [sflag:$0x2] =	stream.strided.gather [hbm4b:s26+s2], $0x2000, s8, s2, $0x38;
	[tilespmem:$0x11000] =	vst v63  }
0xa2: {  	s0 =	sand.u32 $0x60, s29;
	_ =	swait.ge [sflag:s18], $0x2000  }
0xa3: {  	s20 =	sand.u32 $0xF80, s29;
	s14 =	sor.u32 $0x10, s0;
	[sflag:s18] =	ssyncset.done $0x0  }
0xa4: {  	s1 =	sor.u32 s14, s20;
	[sflag:s18] =	ssyncadd.s32 $0xFFFFE000  }
0xa5: {  	v0 =	vld [tilespmem:s1+$0x0]  }
0xa6: {  	s21 =	simm.s32 $0x20  }
0xa7: {  	s3 =	sand.u32 $0x60, s21;
	v1 =	vld [tilespmem:s29+$0x0]  }
0xa8: {  	s22 =	sand.u32 $0xF80, s21;
	s6 =	sor.u32 $0x10, s3  }
0xa9: {  	s23 =	sor.u32 s6, s22;
	v2 =	vld [tilespmem:s21+$0x0]  }
0xaa: {  	v4 =	vld [tilespmem:s23+$0x0];
	v3 =	vshll.u32 v0, $0x1  }
0xab: {  	v0 =	vand.u32 $0x7F, v0;
	v3 =	vand.u32 $0xFFFFFF00, v3  }
0xac: {  	s24 =	simm.s32 $0x40;
	v3 =	vor.u32 v0, v3;
	v0 =	vshll.u32 v1, $0x1  }
0xad: {  	s1 =	sand.u32 $0x60, s24;
	v1 =	vand.u32 $0x7F, v1;
	v0 =	vand.u32 $0xFFFFFF00, v0  }
0xae: {  	s25 =	sand.u32 $0xF80, s24;
	s4 =	sor.u32 $0x10, s1;
	v1 =	vor.u32 v1, v0;
	v0 =	vshll.u32 v2, $0x1  }
0xaf: {  	s20 =	sor.u32 s4, s25;
	v5 =	vshll.u32 v4, $0x1;
	v2 =	vand.u32 $0x7F, v2;
	v0 =	vand.u32 $0xFFFFFF00, v0  }
0xb0: {  	v0 =	vor.u32 v2, v0;
	v2 =	vand.u32 $0x7F, v4;
	v4 =	vand.u32 $0xFFFFFF00, v5;
	v5 =	vld [tilespmem:s20+$0x0]  }
0xb1: {  	v6 =	vld.idx.msk [tilespmem:v3+s12+$0x0], $0xffff  }
0xb2: {  	v2 =	vor.u32 v2, v4  }
0xb3: {  	s5 =	sand.u32 $0x1F00, s29;
	v8 =	vld [tilespmem:s24+$0x0];
	v3 =	vor.u32 $0x80, v3  }
0xb4: {  	s26 =	sadd.s32 $0xD000, s5;
	s20 =	simm.s32 $0x60;
	v9 =	vld.idx.msk [tilespmem:v1+s12+$0x0], $0xffff  }
0xb5: {  	s19 =	sor.u32 s14, s26;
	v11 =	vor.u32 $0x80, v1;
	v7 =	vld [tilespmem:s20+$0x0]  }
0xb6: {  	s5 =	sand.u32 $0x60, s20;
	v1 =	vld.idx.msk [tilespmem:v0+s12+$0x0], $0xffff;
	[tilespmem:s19+$0x0] =	vst v6;
	v6 =	vshll.u32 v5, $0x1  }
0xb7: {  	s22 =	sand.u32 $0xF80, s20;
	s15 =	sor.u32 $0x10, s5;
	v4 =	vld.idx.msk [tilespmem:v2+s12+$0x0], $0xffff;
	v6 =	vand.u32 $0xFFFFFF00, v6  }
0xb8: {  	s17 =	sor.u32 s0, s26;
	s21 =	simm.s32 $0x40;
	v10 =	vshll.u32 v8, $0x1;
	s22 =	sor.u32 s15, s22;
	v5 =	vand.u32 $0x7F, v5;
	v3 =	vld.idx.msk [tilespmem:v3+s12+$0x0], $0xffff  }
0xb9: {  	s29 =	sand.u32 $0x1F00, s21;
	v8 =	vand.u32 $0x7F, v8;
	v63 =	vand.u32 $0xFFFFFF00, v10;
	[tilespmem:s17+$0x0] =	vst v9;
	v9 =	vld [tilespmem:s22+$0x0];
	v10 =	vor.u32 v5, v6  }
0xba: {  	s23 =	simm.s32 $0x80;
	s24 =	sadd.s32 $0xD000, s29;
	v8 =	vor.u32 v8, v63;
	s22 =	simm.s32 $0x6;
	v5 =	vor.u32 $0x80, v2;
	v2 =	vld.idx.msk [tilespmem:v11+s12+$0x0], $0xffff;
	v6 =	vmov v10  }
.LBB2_6:
0xbb: {  	s20 =	sadd.s32 $0x20, s20;
	s25 =	sor.u32 s3, s24  }
0xbc: {  	v11 =	vld [tilespmem:s23+$0x0];
	v12 =	vor.u32 $0x80, v0;
	s6 =	sor.u32 s6, s24;
	v13 =	vmov v1;
	v0 =	vmov v8;
	s3 =	smov.u32 s1;
	s22 =	sadd.s32 $0x2, s22  }
0xbd: {  	v14 =	vshll.u32 v7, $0x1;
	s1 =	smov.u32 s5;
	v1 =	vld.idx.msk [tilespmem:v8+s12+$0x0], $0xffff;
	[tilespmem:s6+$0x0] =	vst v4;
	s5 =	sand.u32 $0x60, s20;
	p0 =	slt.u32 s22, $0xFE  }
.Ltmp2:
0xbe: {  	v7 =	vand.u32 $0x7F, v7;
	s26 =	sand.u32 $0xF80, s20;
	v8 =	vand.u32 $0xFFFFFF00, v14;
	s24 =	sor.u32 $0x10, s5;
	v14 =	vshll.u32 v9, $0x1;
	v4 =	vld.idx.msk [tilespmem:v10+s12+$0x0], $0xffff;
	[tilespmem:s19+$0x80] =	vst v3;
	(pc) =	sbr.rel @p0 .LBB2_6-.Ltmp2, $4  }
0xbf: {  	v8 =	vor.u32 v7, v8;
	v15 =	vand.u32 $0x7F, v9;
	s19 =	smov.u32 s6;
	s26 =	sor.u32 s24, s26;
	v10 =	vand.u32 $0xFFFFFF00, v14;
	[tilespmem:s25+$0x0] =	vst v13;
	v3 =	vld.idx.msk [tilespmem:v5+s12+$0x0], $0xffff  }
0xc0: {  	s21 =	sadd.s32 $0x40, s21;
	s6 =	smov.u32 s4;
	v9 =	vld [tilespmem:s26+$0x0];
	v10 =	vor.u32 v15, v10;
	[tilespmem:s17+$0x80] =	vst v2;
	s17 =	smov.u32 s25  }
0xc1: {  	s4 =	smov.u32 s15;
	v5 =	vor.u32 $0x80, v6;
	s15 =	smov.u32 s24;
	s25 =	sand.u32 $0x1F00, s21;
	v2 =	vld.idx.msk [tilespmem:v12+s12+$0x0], $0xffff;
	v7 =	vmov v11;
	v6 =	vmov v10  }
0xc2: {  	s23 =	sadd.s32 $0x20, s23;
	s24 =	sadd.s32 $0xD000, s25  }
0xc3: {  	_ = 	snop  }
0xc4: {  	v12 =	vshll.u32 v7, $0x1  }
0xc5: {  	v7 =	vand.u32 $0x7F, v7;
	v12 =	vand.u32 $0xFFFFFF00, v12;
	v11 =	vshll.u32 v9, $0x1  }
0xc6: {  	v9 =	vand.u32 $0x7F, v9;
	v7 =	vor.u32 v7, v12;
	v11 =	vand.u32 $0xFFFFFF00, v11  }
0xc7: {  	v9 =	vor.u32 v9, v11  }
0xc8: {  	s6 =	sor.u32 s6, s24  }
0xc9: {  	v0 =	vor.u32 $0x80, v0;
	v10 =	vld.idx.msk [tilespmem:v10+s12+$0x0], $0xffff;
	[tilespmem:s6+$0x0] =	vst v4  }
0xca: {  	s20 =	sadd.s32 $0x40, s21;
	s3 =	sor.u32 s3, s24;
	v4 =	vor.u32 $0x80, v6;
	[tilespmem:s19+$0x80] =	vst v3;
	v11 =	vld.idx.msk [tilespmem:v8+s12+$0x0], $0xffff  }
0xcb: {  	s23 =	sand.u32 $0x1F00, s20;
	v3 =	vor.u32 $0x80, v8;
	[tilespmem:s3+$0x0] =	vst v1;
	v1 =	vld.idx.msk [tilespmem:v7+s12+$0x0], $0xffff  }
0xcc: {  	s20 =	sadd.s32 $0x40, s20;
	s19 =	sadd.s32 $0xD000, s23;
	[tilespmem:s17+$0x80] =	vst v2;
	v2 =	vor.u32 $0x80, v7;
	v6 =	vld.idx.msk [tilespmem:v9+s12+$0x0], $0xffff  }
0xcd: {  	v5 =	vld.idx.msk [tilespmem:v5+s12+$0x0], $0xffff;
	s24 =	sand.u32 $0x1F00, s20;
	s4 =	sor.u32 s4, s19;
	v8 =	vor.u32 $0x80, v9  }
0xce: {  	s1 =	sor.u32 s1, s19;
	s17 =	sadd.s32 $0xD000, s24;
	v0 =	vld.idx.msk [tilespmem:v0+s12+$0x0], $0xffff;
	[tilespmem:s4+$0x0] =	vst v10  }
0xcf: {  	s5 =	sor.u32 s5, s17;
	v4 =	vld.idx.msk [tilespmem:v4+s12+$0x0], $0xffff;
	[tilespmem:s1+$0x0] =	vst v11  }
0xd0: {  	s15 =	sor.u32 s15, s17;
	v3 =	vld.idx.msk [tilespmem:v3+s12+$0x0], $0xffff;
	[tilespmem:s5+$0x0] =	vst v1  }
0xd1: {  	v2 =	vld.idx.msk [tilespmem:v2+s12+$0x0], $0xffff;
	[tilespmem:s15+$0x0] =	vst v6  }
0xd2: {  	[tilespmem:s6+$0x80] =	vst v5;
	v1 =	vld.idx.msk [tilespmem:v8+s12+$0x0], $0xffff  }
0xd3: {  	[tilespmem:s3+$0x80] =	vst v0  }
0xd4: {  	[tilespmem:s4+$0x80] =	vst v4  }
0xd5: {  	[tilespmem:s1+$0x80] =	vst v3  }
0xd6: {  	[tilespmem:s5+$0x80] =	vst v2  }
0xd7: {  	[tilespmem:s15+$0x80] =	vst v1  }
0xd8: {  	s25 =	simm.s32 $0xD000;
	s0 =	rddreg [dreg:$0xd]  }
0xd9: {  	[hbm4b:s0+s2] =	stream.strided.scatter [tilespmem:s25], [sflag:$0x7], $0x2000, s8, s2, $0x38;
	[tilespmem:$0x11000] =	vst v63  }
0xda: {  	s29 =	simm.s32 $0x0;
	s26 =	rddreg [dreg:$0xe]  }
0xdb: {  	[tilespmem:s12], [sflag:$0x3] =	stream.strided.gather [hbm4b:s26+s2], $0x2000, s8, s2, $0x38;
	[tilespmem:$0x11000] =	vst v63  }
0xdc: {  	s0 =	sand.u32 $0x60, s29;
	_ =	swait.ge [sflag:s28], $0x2000  }
0xdd: {  	s20 =	sand.u32 $0xF80, s29;
	s14 =	sor.u32 $0x10, s0;
	[sflag:s28] =	ssyncset.done $0x0  }
0xde: {  	s1 =	sor.u32 s14, s20;
	[sflag:s28] =	ssyncadd.s32 $0xFFFFE000  }
0xdf: {  	v0 =	vld [tilespmem:s1+$0x0]  }
0xe0: {  	s21 =	simm.s32 $0x20  }
0xe1: {  	s3 =	sand.u32 $0x60, s21;
	v1 =	vld [tilespmem:s29+$0x0]  }
0xe2: {  	s22 =	sand.u32 $0xF80, s21;
	s6 =	sor.u32 $0x10, s3  }
0xe3: {  	s23 =	sor.u32 s6, s22;
	v2 =	vld [tilespmem:s21+$0x0]  }
0xe4: {  	v4 =	vld [tilespmem:s23+$0x0];
	v3 =	vshll.u32 v0, $0x1  }
0xe5: {  	v0 =	vand.u32 $0x7F, v0;
	v3 =	vand.u32 $0xFFFFFF00, v3  }
0xe6: {  	s24 =	simm.s32 $0x40;
	v3 =	vor.u32 v0, v3;
	v0 =	vshll.u32 v1, $0x1  }
0xe7: {  	s1 =	sand.u32 $0x60, s24;
	v1 =	vand.u32 $0x7F, v1;
	v0 =	vand.u32 $0xFFFFFF00, v0  }
0xe8: {  	s25 =	sand.u32 $0xF80, s24;
	s4 =	sor.u32 $0x10, s1;
	v1 =	vor.u32 v1, v0;
	v0 =	vshll.u32 v2, $0x1  }
0xe9: {  	s20 =	sor.u32 s4, s25;
	v5 =	vshll.u32 v4, $0x1;
	v2 =	vand.u32 $0x7F, v2;
	v0 =	vand.u32 $0xFFFFFF00, v0  }
0xea: {  	v0 =	vor.u32 v2, v0;
	v2 =	vand.u32 $0x7F, v4;
	v4 =	vand.u32 $0xFFFFFF00, v5;
	v5 =	vld [tilespmem:s20+$0x0]  }
0xeb: {  	v6 =	vld.idx.msk [tilespmem:v3+s13+$0x0], $0xffff  }
0xec: {  	v2 =	vor.u32 v2, v4  }
0xed: {  	s5 =	sand.u32 $0x1F00, s29;
	v8 =	vld [tilespmem:s24+$0x0];
	v3 =	vor.u32 $0x80, v3  }
0xee: {  	s26 =	sadd.s32 $0xF000, s5;
	s20 =	simm.s32 $0x60;
	v9 =	vld.idx.msk [tilespmem:v1+s13+$0x0], $0xffff  }
0xef: {  	s19 =	sor.u32 s14, s26;
	v11 =	vor.u32 $0x80, v1;
	v7 =	vld [tilespmem:s20+$0x0]  }
0xf0: {  	s5 =	sand.u32 $0x60, s20;
	v1 =	vld.idx.msk [tilespmem:v0+s13+$0x0], $0xffff;
	[tilespmem:s19+$0x0] =	vst v6;
	v6 =	vshll.u32 v5, $0x1  }
0xf1: {  	s22 =	sand.u32 $0xF80, s20;
	s15 =	sor.u32 $0x10, s5;
	v4 =	vld.idx.msk [tilespmem:v2+s13+$0x0], $0xffff;
	v6 =	vand.u32 $0xFFFFFF00, v6  }
0xf2: {  	s17 =	sor.u32 s0, s26;
	s21 =	simm.s32 $0x40;
	v10 =	vshll.u32 v8, $0x1;
	s22 =	sor.u32 s15, s22;
	v5 =	vand.u32 $0x7F, v5;
	v3 =	vld.idx.msk [tilespmem:v3+s13+$0x0], $0xffff  }
0xf3: {  	s29 =	sand.u32 $0x1F00, s21;
	v8 =	vand.u32 $0x7F, v8;
	v63 =	vand.u32 $0xFFFFFF00, v10;
	[tilespmem:s17+$0x0] =	vst v9;
	v9 =	vld [tilespmem:s22+$0x0];
	v10 =	vor.u32 v5, v6  }
0xf4: {  	s23 =	simm.s32 $0x80;
	s24 =	sadd.s32 $0xF000, s29;
	v8 =	vor.u32 v8, v63;
	s22 =	simm.s32 $0x6;
	v5 =	vor.u32 $0x80, v2;
	v2 =	vld.idx.msk [tilespmem:v11+s13+$0x0], $0xffff;
	v6 =	vmov v10  }
.LBB2_8:
0xf5: {  	s20 =	sadd.s32 $0x20, s20;
	s25 =	sor.u32 s3, s24  }
0xf6: {  	v11 =	vld [tilespmem:s23+$0x0];
	v12 =	vor.u32 $0x80, v0;
	s6 =	sor.u32 s6, s24;
	v13 =	vmov v1;
	v0 =	vmov v8;
	s3 =	smov.u32 s1;
	s22 =	sadd.s32 $0x2, s22  }
0xf7: {  	v14 =	vshll.u32 v7, $0x1;
	s1 =	smov.u32 s5;
	v1 =	vld.idx.msk [tilespmem:v8+s13+$0x0], $0xffff;
	[tilespmem:s6+$0x0] =	vst v4;
	s5 =	sand.u32 $0x60, s20;
	p0 =	slt.u32 s22, $0xFE  }
.Ltmp3:
0xf8: {  	v7 =	vand.u32 $0x7F, v7;
	s26 =	sand.u32 $0xF80, s20;
	v8 =	vand.u32 $0xFFFFFF00, v14;
	s24 =	sor.u32 $0x10, s5;
	v14 =	vshll.u32 v9, $0x1;
	v4 =	vld.idx.msk [tilespmem:v10+s13+$0x0], $0xffff;
	[tilespmem:s19+$0x80] =	vst v3;
	(pc) =	sbr.rel @p0 .LBB2_8-.Ltmp3, $4  }
0xf9: {  	v8 =	vor.u32 v7, v8;
	v15 =	vand.u32 $0x7F, v9;
	s19 =	smov.u32 s6;
	s26 =	sor.u32 s24, s26;
	v10 =	vand.u32 $0xFFFFFF00, v14;
	[tilespmem:s25+$0x0] =	vst v13;
	v3 =	vld.idx.msk [tilespmem:v5+s13+$0x0], $0xffff  }
0xfa: {  	s21 =	sadd.s32 $0x40, s21;
	s6 =	smov.u32 s4;
	v9 =	vld [tilespmem:s26+$0x0];
	v10 =	vor.u32 v15, v10;
	[tilespmem:s17+$0x80] =	vst v2;
	s17 =	smov.u32 s25  }
0xfb: {  	s4 =	smov.u32 s15;
	v5 =	vor.u32 $0x80, v6;
	s15 =	smov.u32 s24;
	s25 =	sand.u32 $0x1F00, s21;
	v2 =	vld.idx.msk [tilespmem:v12+s13+$0x0], $0xffff;
	v7 =	vmov v11;
	v6 =	vmov v10  }
0xfc: {  	s23 =	sadd.s32 $0x20, s23;
	s24 =	sadd.s32 $0xF000, s25  }
0xfd: {  	_ = 	snop  }
0xfe: {  	v12 =	vshll.u32 v7, $0x1  }
0xff: {  	v55 =	vand.u32 $0x7F, v7;
	v12 =	vand.u32 $0xFFFFFF00, v12;
	v11 =	vshll.u32 v9, $0x1  }
0x100: {  	v54 =	vand.u32 $0x7F, v9;
	v7 =	vor.u32 v55, v12;
	v11 =	vand.u32 $0xFFFFFF00, v11  }
0x101: {  	v9 =	vor.u32 v54, v11;
	_ =	sdelay $0x1  }
0x102: {  	v0 =	vor.u32 $0x80, v0;
	s6 =	sor.u32 s6, s24;
	v10 =	vld.idx.msk [tilespmem:v10+s13+$0x0], $0xffff  }
0x103: {  	v56 =	vld.idx.msk [tilespmem:v8+s13+$0x0], $0xffff;
	s20 =	sadd.s32 $0x40, s21;
	v57 =	vor.u32 $0x80, v6;
	[tilespmem:s6+$0x0] =	vst v4  }
0x104: {  	s3 =	sor.u32 s3, s24;
	v58 =	vor.u32 $0x80, v8;
	[tilespmem:s19+$0x80] =	vst v3;
	s24 =	sand.u32 $0x1F00, s20;
	v60 =	vld.idx.msk [tilespmem:v7+s13+$0x0], $0xffff  }
0x105: {  	[tilespmem:s3+$0x0] =	vst v1;
	s20 =	sadd.s32 $0x40, s20;
	s19 =	sadd.s32 $0xF000, s24;
	v62 =	vor.u32 $0x80, v7;
	v59 =	vld.idx.msk [tilespmem:v9+s13+$0x0], $0xffff  }
0x106: {  	v5 =	vld.idx.msk [tilespmem:v5+s13+$0x0], $0xffff;
	s25 =	sand.u32 $0x1F00, s20;
	[tilespmem:s17+$0x80] =	vst v2;
	s4 =	sor.u32 s4, s19;
	v61 =	vor.u32 $0x80, v9  }
0x107: {  	s1 =	sor.u32 s1, s19;
	s17 =	sadd.s32 $0xF000, s25;
	v0 =	vld.idx.msk [tilespmem:v0+s13+$0x0], $0xffff;
	[tilespmem:s4+$0x0] =	vst v10  }
0x108: {  	s5 =	sor.u32 s5, s17;
	[tilespmem:s1+$0x0] =	vst v56;
	v4 =	vld.idx.msk [tilespmem:v57+s13+$0x0], $0xffff  }
0x109: {  	s15 =	sor.u32 s15, s17;
	v3 =	vld.idx.msk [tilespmem:v58+s13+$0x0], $0xffff;
	[tilespmem:s5+$0x0] =	vst v60  }
0x10a: {  	v2 =	vld.idx.msk [tilespmem:v62+s13+$0x0], $0xffff;
	[tilespmem:s15+$0x0] =	vst v59  }
0x10b: {  	[tilespmem:s6+$0x80] =	vst v5;
	v63 =	vld.idx.msk [tilespmem:v61+s13+$0x0], $0xffff  }
0x10c: {  	[tilespmem:s3+$0x80] =	vst v0  }
0x10d: {  	[tilespmem:s4+$0x80] =	vst v4  }
0x10e: {  	[tilespmem:s1+$0x80] =	vst v3  }
0x10f: {  	[tilespmem:s5+$0x80] =	vst v2  }
0x110: {  	[tilespmem:s15+$0x80] =	vst v63  }
0x111: {  	s26 =	simm.s32 $0xF000;
	s0 =	rddreg [dreg:$0xf]  }
0x112: {  	[hbm4b:s0+s2] =	stream.strided.scatter [tilespmem:s26], [sflag:$0x8], $0x2000, s8, s2, $0x38;
	[tilespmem:$0x11000] =	vst v63  }
0x113: {  	s5 =	simm.s32 $0x1;
	s29 =	rddreg [dreg:$0x10]  }
0x114: {  	[tilespmem:s13], [sflag:$0x4] =	stream.strided.gather [hbm4b:s29+s2], $0x2000, s8, s2, $0x38;
	[tilespmem:$0x11000] =	vst v63  }
.LBB2_10:
0x115: {  	s0 =	simm.s32 $0x1  }
0x116: {  	_ =	swait.ge [sflag:s0], $0x2000  }
0x117: {  	[sflag:s0] =	ssyncset.done $0x0  }
0x118: {  	s15 =	simm.s32 $0x0;
	[sflag:s0] =	ssyncadd.s32 $0xFFFFE000  }
0x119: {  	s21 =	sand.u32 $0x60, s15;
	_ =	swait.ge [sflag:s30], $0x2000  }
0x11a: {  	s1 =	sand.u32 $0xF80, s15;
	s17 =	sor.u32 $0x10, s21;
	[sflag:s30] =	ssyncset.done $0x0  }
0x11b: {  	s1 =	sor.u32 s17, s1;
	[sflag:s30] =	ssyncadd.s32 $0xFFFFE000  }
0x11c: {  	v0 =	vld [tilespmem:s1+$0x0]  }
0x11d: {  	s25 =	simm.s32 $0x20  }
0x11e: {  	s3 =	sand.u32 $0x60, s25;
	v1 =	vld [tilespmem:s15+$0x0]  }
0x11f: {  	s4 =	sand.u32 $0xF80, s25;
	s6 =	sor.u32 $0x10, s3  }
0x120: {  	s26 =	sor.u32 s6, s4;
	v2 =	vld [tilespmem:s25+$0x0]  }
0x121: {  	v4 =	vld [tilespmem:s26+$0x0];
	v3 =	vshll.u32 v0, $0x1  }
0x122: {  	v0 =	vand.u32 $0x7F, v0;
	v3 =	vand.u32 $0xFFFFFF00, v3  }
0x123: {  	s19 =	simm.s32 $0x40;
	v3 =	vor.u32 v0, v3;
	v0 =	vshll.u32 v1, $0x1  }
0x124: {  	s1 =	sand.u32 $0x60, s19;
	v1 =	vand.u32 $0x7F, v1;
	v0 =	vand.u32 $0xFFFFFF00, v0  }
0x125: {  	s20 =	sand.u32 $0xF80, s19;
	s4 =	sor.u32 $0x10, s1;
	v1 =	vor.u32 v1, v0;
	v0 =	vshll.u32 v2, $0x1  }
0x126: {  	s20 =	sor.u32 s4, s20;
	v5 =	vshll.u32 v4, $0x1;
	v2 =	vand.u32 $0x7F, v2;
	v0 =	vand.u32 $0xFFFFFF00, v0  }
0x127: {  	v0 =	vor.u32 v2, v0;
	v2 =	vand.u32 $0x7F, v4;
	v4 =	vand.u32 $0xFFFFFF00, v5;
	v5 =	vld [tilespmem:s20+$0x0]  }
0x128: {  	v6 =	vld.idx.msk [tilespmem:v3+s9+$0x0], $0xffff  }
0x129: {  	v2 =	vor.u32 v2, v4  }
0x12a: {  	v8 =	vld [tilespmem:s19+$0x0];
	s15 =	sand.u32 $0x1F00, s15;
	v3 =	vor.u32 $0x80, v3  }
0x12b: {  	s22 =	sadd.s32 $0x9000, s15;
	s20 =	simm.s32 $0x60;
	v9 =	vld.idx.msk [tilespmem:v1+s9+$0x0], $0xffff  }
0x12c: {  	s19 =	sor.u32 s17, s22;
	v11 =	vor.u32 $0x80, v1;
	v7 =	vld [tilespmem:s20+$0x0]  }
0x12d: {  	s15 =	sand.u32 $0x60, s20;
	v1 =	vld.idx.msk [tilespmem:v0+s9+$0x0], $0xffff;
	[tilespmem:s19+$0x0] =	vst v6;
	v6 =	vshll.u32 v5, $0x1  }
0x12e: {  	s23 =	sand.u32 $0xF80, s20;
	s17 =	sor.u32 $0x10, s15;
	v4 =	vld.idx.msk [tilespmem:v2+s9+$0x0], $0xffff;
	v6 =	vand.u32 $0xFFFFFF00, v6  }
0x12f: {  	s25 =	sor.u32 s21, s22;
	s21 =	simm.s32 $0x40;
	v10 =	vshll.u32 v8, $0x1;
	s29 =	sor.u32 s17, s23;
	v5 =	vand.u32 $0x7F, v5;
	v3 =	vld.idx.msk [tilespmem:v3+s9+$0x0], $0xffff  }
0x130: {  	s24 =	sand.u32 $0x1F00, s21;
	v8 =	vand.u32 $0x7F, v8;
	v12 =	vand.u32 $0xFFFFFF00, v10;
	[tilespmem:s25+$0x0] =	vst v9;
	v9 =	vld [tilespmem:s29+$0x0];
	v10 =	vor.u32 v5, v6  }
0x131: {  	s22 =	simm.s32 $0x6;
	s24 =	sadd.s32 $0x9000, s24;
	v8 =	vor.u32 v8, v12;
	s23 =	simm.s32 $0x80;
	v5 =	vor.u32 $0x80, v2;
	v2 =	vld.idx.msk [tilespmem:v11+s9+$0x0], $0xffff;
	v6 =	vmov v10  }
.LBB2_11:
0x132: {  	s20 =	sadd.s32 $0x20, s20;
	s26 =	sor.u32 s3, s24  }
0x133: {  	v11 =	vld [tilespmem:s23+$0x0];
	v12 =	vor.u32 $0x80, v0;
	s6 =	sor.u32 s6, s24;
	v13 =	vmov v1;
	v0 =	vmov v8;
	s3 =	smov.u32 s1;
	s22 =	sadd.s32 $0x2, s22  }
0x134: {  	v14 =	vshll.u32 v7, $0x1;
	s1 =	smov.u32 s15;
	v1 =	vld.idx.msk [tilespmem:v8+s9+$0x0], $0xffff;
	[tilespmem:s6+$0x0] =	vst v4;
	s15 =	sand.u32 $0x60, s20;
	p0 =	slt.u32 s22, $0xFE  }
.Ltmp4:
0x135: {  	v7 =	vand.u32 $0x7F, v7;
	s29 =	sand.u32 $0xF80, s20;
	v8 =	vand.u32 $0xFFFFFF00, v14;
	s24 =	sor.u32 $0x10, s15;
	v14 =	vshll.u32 v9, $0x1;
	v4 =	vld.idx.msk [tilespmem:v10+s9+$0x0], $0xffff;
	[tilespmem:s19+$0x80] =	vst v3;
	(pc) =	sbr.rel @p0 .LBB2_11-.Ltmp4, $4  }
0x136: {  	v8 =	vor.u32 v7, v8;
	v15 =	vand.u32 $0x7F, v9;
	s19 =	smov.u32 s6;
	s29 =	sor.u32 s24, s29;
	v10 =	vand.u32 $0xFFFFFF00, v14;
	[tilespmem:s26+$0x0] =	vst v13;
	v3 =	vld.idx.msk [tilespmem:v5+s9+$0x0], $0xffff  }
0x137: {  	s21 =	sadd.s32 $0x40, s21;
	s6 =	smov.u32 s4;
	v9 =	vld [tilespmem:s29+$0x0];
	v10 =	vor.u32 v15, v10;
	[tilespmem:s25+$0x80] =	vst v2;
	s25 =	smov.u32 s26  }
0x138: {  	s4 =	smov.u32 s17;
	v5 =	vor.u32 $0x80, v6;
	s17 =	smov.u32 s24;
	s26 =	sand.u32 $0x1F00, s21;
	v2 =	vld.idx.msk [tilespmem:v12+s9+$0x0], $0xffff;
	v7 =	vmov v11;
	v6 =	vmov v10  }
0x139: {  	s23 =	sadd.s32 $0x20, s23;
	s24 =	sadd.s32 $0x9000, s26  }
0x13a: {  	_ = 	snop  }
0x13b: {  	v12 =	vshll.u32 v7, $0x1;
	v7 =	vand.u32 $0x7F, v7  }
0x13c: {  	v0 =	vor.u32 $0x80, v0;
	v12 =	vand.u32 $0xFFFFFF00, v12;
	v11 =	vshll.u32 v9, $0x1  }
0x13d: {  	s6 =	sor.u32 s6, s24;
	v9 =	vand.u32 $0x7F, v9;
	v7 =	vor.u32 v7, v12;
	v11 =	vand.u32 $0xFFFFFF00, v11  }
0x13e: {  	v10 =	vld.idx.msk [tilespmem:v10+s9+$0x0], $0xffff;
	[tilespmem:s6+$0x0] =	vst v4;
	v9 =	vor.u32 v9, v11  }
0x13f: {  	s20 =	sadd.s32 $0x40, s21;
	s3 =	sor.u32 s3, s24;
	v4 =	vor.u32 $0x80, v6;
	[tilespmem:s19+$0x80] =	vst v3;
	v11 =	vld.idx.msk [tilespmem:v8+s9+$0x0], $0xffff  }
0x140: {  	s14 =	sand.u32 $0x1F00, s20;
	v3 =	vor.u32 $0x80, v8;
	[tilespmem:s3+$0x0] =	vst v1;
	v5 =	vld.idx.msk [tilespmem:v5+s9+$0x0], $0xffff  }
0x141: {  	s19 =	sadd.s32 $0x9000, s14;
	v0 =	vld.idx.msk [tilespmem:v0+s9+$0x0], $0xffff  }
0x142: {  	[tilespmem:s25+$0x80] =	vst v2;
	s4 =	sor.u32 s4, s19;
	v1 =	vld.idx.msk [tilespmem:v7+s9+$0x0], $0xffff  }
0x143: {  	s20 =	sadd.s32 $0x40, s20;
	v2 =	vor.u32 $0x80, v7;
	s1 =	sor.u32 s1, s19;
	[tilespmem:s4+$0x0] =	vst v10;
	v6 =	vld.idx.msk [tilespmem:v9+s9+$0x0], $0xffff  }
0x144: {  	s20 =	sand.u32 $0x1F00, s20;
	v8 =	vor.u32 $0x80, v9;
	v4 =	vld.idx.msk [tilespmem:v4+s9+$0x0], $0xffff;
	[tilespmem:s1+$0x0] =	vst v11  }
0x145: {  	s20 =	sadd.s32 $0x9000, s20;
	[tilespmem:s6+$0x80] =	vst v5;
	v3 =	vld.idx.msk [tilespmem:v3+s9+$0x0], $0xffff  }
0x146: {  	s15 =	sor.u32 s15, s20;
	[tilespmem:s3+$0x80] =	vst v0  }
0x147: {  	s17 =	sor.u32 s17, s20;
	[tilespmem:s15+$0x0] =	vst v1  }
0x148: {  	v2 =	vld.idx.msk [tilespmem:v2+s9+$0x0], $0xffff;
	[tilespmem:s17+$0x0] =	vst v6  }
0x149: {  	[tilespmem:s4+$0x80] =	vst v4;
	v1 =	vld.idx.msk [tilespmem:v8+s9+$0x0], $0xffff  }
0x14a: {  	[tilespmem:s1+$0x80] =	vst v3  }
0x14b: {  	s0 =	rddreg [dreg:$0x11]  }
0x14c: {  	s21 =	sadd.s32 s0, s5  }
0x14d: {  	s22 =	rddreg [dreg:$0x2];
	s1 =	sshll.u32 s21, $0xC;
	[tilespmem:s15+$0x80] =	vst v2  }
0x14e: {  	s23 =	simm.s32 $0x9000;
	s1 =	sadd.s32 s22, s1;
	[tilespmem:s17+$0x80] =	vst v1  }
0x14f: {  	[hbm4b:s1+s2] =	stream.strided.scatter [tilespmem:s23], [sflag:$0x5], $0x2000, s8, s2, $0x38;
	[tilespmem:$0x11000] =	vst v63  }
0x150: {  	s3 =	sshll.u32 s5, $0xC;
	s24 =	rddreg [dreg:$0x1d]  }
0x151: {  	s25 =	rddreg [dreg:$0x0];
	s1 =	sadd.s32 s24, s3  }
0x152: {  	s26 =	sadd.s32 s25, s1  }
0x153: {  	[tilespmem:s9], [sflag:$0x1] =	stream.strided.gather [hbm4b:s26+s2], $0x2000, s8, s2, $0x38;
	[tilespmem:$0x11000] =	vst v63  }
0x154: {  	_ =	swait.ge [sflag:s16], $0x2000  }
0x155: {  	[sflag:s16] =	ssyncset.done $0x0  }
0x156: {  	s0 =	simm.s32 $0x0;
	[sflag:s16] =	ssyncadd.s32 $0xFFFFE000  }
0x157: {  	s22 =	sand.u32 $0x60, s0;
	_ =	swait.ge [sflag:s31], $0x2000  }
0x158: {  	s19 =	sand.u32 $0xF80, s0;
	s14 =	sor.u32 $0x10, s22;
	[sflag:s31] =	ssyncset.done $0x0  }
0x159: {  	s4 =	sor.u32 s14, s19;
	[sflag:s31] =	ssyncadd.s32 $0xFFFFE000  }
0x15a: {  	v0 =	vld [tilespmem:s4+$0x0]  }
0x15b: {  	s21 =	simm.s32 $0x20  }
0x15c: {  	s15 =	sand.u32 $0x60, s21;
	v1 =	vld [tilespmem:s0+$0x0]  }
0x15d: {  	s19 =	sor.u32 $0x10, s15;
	s23 =	sand.u32 $0xF80, s21  }
0x15e: {  	s24 =	sor.u32 s19, s23;
	v2 =	vld [tilespmem:s21+$0x0]  }
0x15f: {  	v4 =	vld [tilespmem:s24+$0x0];
	v3 =	vshll.u32 v0, $0x1  }
0x160: {  	v0 =	vand.u32 $0x7F, v0;
	v3 =	vand.u32 $0xFFFFFF00, v3  }
0x161: {  	s25 =	simm.s32 $0x40;
	v3 =	vor.u32 v0, v3;
	v0 =	vshll.u32 v1, $0x1  }
0x162: {  	s4 =	sand.u32 $0x60, s25;
	v1 =	vand.u32 $0x7F, v1;
	v0 =	vand.u32 $0xFFFFFF00, v0  }
0x163: {  	s23 =	sand.u32 $0xF80, s25;
	s17 =	sor.u32 $0x10, s4;
	v1 =	vor.u32 v1, v0;
	v0 =	vshll.u32 v2, $0x1  }
0x164: {  	s23 =	sor.u32 s17, s23;
	v5 =	vshll.u32 v4, $0x1;
	v2 =	vand.u32 $0x7F, v2;
	v0 =	vand.u32 $0xFFFFFF00, v0  }
0x165: {  	v0 =	vor.u32 v2, v0;
	v2 =	vand.u32 $0x7F, v4;
	v4 =	vand.u32 $0xFFFFFF00, v5;
	v5 =	vld [tilespmem:s23+$0x0]  }
0x166: {  	v6 =	vld.idx.msk [tilespmem:v3+s10+$0x0], $0xffff  }
0x167: {  	v2 =	vor.u32 v2, v4  }
0x168: {  	s6 =	sand.u32 $0x1F00, s0;
	v8 =	vld [tilespmem:s25+$0x0];
	v3 =	vor.u32 $0x80, v3  }
0x169: {  	s6 =	sadd.s32 $0xB000, s6;
	s21 =	simm.s32 $0x60;
	v9 =	vld.idx.msk [tilespmem:v1+s10+$0x0], $0xffff  }
0x16a: {  	s20 =	sor.u32 s14, s6;
	v7 =	vld [tilespmem:s21+$0x0];
	v11 =	vor.u32 $0x80, v1  }
0x16b: {  	s25 =	sand.u32 $0x60, s21;
	v1 =	vld.idx.msk [tilespmem:v0+s10+$0x0], $0xffff;
	[tilespmem:s20+$0x0] =	vst v6;
	v6 =	vshll.u32 v5, $0x1  }
0x16c: {  	s26 =	sand.u32 $0xF80, s21;
	s29 =	sor.u32 $0x10, s25;
	v4 =	vld.idx.msk [tilespmem:v2+s10+$0x0], $0xffff;
	v6 =	vand.u32 $0xFFFFFF00, v6  }
0x16d: {  	s6 =	sor.u32 s22, s6;
	s22 =	simm.s32 $0x40;
	v10 =	vshll.u32 v8, $0x1;
	s23 =	sor.u32 s29, s26;
	v5 =	vand.u32 $0x7F, v5;
	v3 =	vld.idx.msk [tilespmem:v3+s10+$0x0], $0xffff  }
0x16e: {  	v8 =	vand.u32 $0x7F, v8;
	v63 =	vand.u32 $0xFFFFFF00, v10;
	s26 =	sand.u32 $0x1F00, s22;
	[tilespmem:s6+$0x0] =	vst v9;
	v9 =	vld [tilespmem:s23+$0x0];
	v10 =	vor.u32 v5, v6  }
0x16f: {  	s24 =	simm.s32 $0x80;
	v8 =	vor.u32 v8, v63;
	s26 =	sadd.s32 $0xB000, s26;
	s23 =	simm.s32 $0x6;
	v5 =	vor.u32 $0x80, v2;
	v2 =	vld.idx.msk [tilespmem:v11+s10+$0x0], $0xffff;
	v6 =	vmov v10  }
.LBB2_13:
0x170: {  	s21 =	sadd.s32 $0x20, s21;
	s0 =	sor.u32 s15, s26  }
0x171: {  	v11 =	vld [tilespmem:s24+$0x0];
	v12 =	vor.u32 $0x80, v0;
	s19 =	sor.u32 s19, s26;
	v13 =	vmov v1;
	v0 =	vmov v8;
	s15 =	smov.u32 s4;
	s23 =	sadd.s32 $0x2, s23  }
0x172: {  	v14 =	vshll.u32 v7, $0x1;
	s4 =	smov.u32 s25;
	v1 =	vld.idx.msk [tilespmem:v8+s10+$0x0], $0xffff;
	[tilespmem:s19+$0x0] =	vst v4;
	s25 =	sand.u32 $0x60, s21;
	p0 =	slt.u32 s23, $0xFE  }
.Ltmp5:
0x173: {  	v7 =	vand.u32 $0x7F, v7;
	s14 =	sand.u32 $0xF80, s21;
	v8 =	vand.u32 $0xFFFFFF00, v14;
	s26 =	sor.u32 $0x10, s25;
	v14 =	vshll.u32 v9, $0x1;
	v4 =	vld.idx.msk [tilespmem:v10+s10+$0x0], $0xffff;
	[tilespmem:s20+$0x80] =	vst v3;
	(pc) =	sbr.rel @p0 .LBB2_13-.Ltmp5, $4  }
0x174: {  	v8 =	vor.u32 v7, v8;
	v15 =	vand.u32 $0x7F, v9;
	s20 =	smov.u32 s19;
	s14 =	sor.u32 s26, s14;
	v10 =	vand.u32 $0xFFFFFF00, v14;
	[tilespmem:s0+$0x0] =	vst v13;
	v3 =	vld.idx.msk [tilespmem:v5+s10+$0x0], $0xffff  }
0x175: {  	s22 =	sadd.s32 $0x40, s22;
	s19 =	smov.u32 s17;
	v9 =	vld [tilespmem:s14+$0x0];
	v10 =	vor.u32 v15, v10;
	[tilespmem:s6+$0x80] =	vst v2;
	s6 =	smov.u32 s0  }
0x176: {  	s17 =	smov.u32 s29;
	v5 =	vor.u32 $0x80, v6;
	s29 =	smov.u32 s26;
	s0 =	sand.u32 $0x1F00, s22;
	v2 =	vld.idx.msk [tilespmem:v12+s10+$0x0], $0xffff;
	v7 =	vmov v11;
	v6 =	vmov v10  }
0x177: {  	s24 =	sadd.s32 $0x20, s24;
	s26 =	sadd.s32 $0xB000, s0  }
0x178: {  	_ =	sdelay $0x1  }
0x179: {  	v11 =	vshll.u32 v9, $0x1  }
0x17a: {  	v12 =	vshll.u32 v7, $0x1;
	v9 =	vand.u32 $0x7F, v9;
	v11 =	vand.u32 $0xFFFFFF00, v11  }
0x17b: {  	v7 =	vand.u32 $0x7F, v7;
	v12 =	vand.u32 $0xFFFFFF00, v12;
	v9 =	vor.u32 v9, v11  }
0x17c: {  	v7 =	vor.u32 v7, v12;
	_ =	sdelay $0x1  }
0x17d: {  	v0 =	vor.u32 $0x80, v0;
	s0 =	sor.u32 s19, s26;
	v10 =	vld.idx.msk [tilespmem:v10+s10+$0x0], $0xffff  }
0x17e: {  	s14 =	sadd.s32 $0x40, s22;
	[tilespmem:s0+$0x0] =	vst v4;
	v4 =	vor.u32 $0x80, v6;
	v11 =	vld.idx.msk [tilespmem:v8+s10+$0x0], $0xffff  }
0x17f: {  	s15 =	sor.u32 s15, s26;
	[tilespmem:s20+$0x80] =	vst v3;
	s26 =	sand.u32 $0x1F00, s14;
	v3 =	vor.u32 $0x80, v8;
	v6 =	vld.idx.msk [tilespmem:v9+s10+$0x0], $0xffff  }
0x180: {  	[tilespmem:s15+$0x0] =	vst v1;
	s14 =	sadd.s32 $0x40, s14;
	s19 =	sadd.s32 $0xB000, s26;
	v8 =	vor.u32 $0x80, v9;
	v1 =	vld.idx.msk [tilespmem:v7+s10+$0x0], $0xffff  }
0x181: {  	v5 =	vld.idx.msk [tilespmem:v5+s10+$0x0], $0xffff;
	s14 =	sand.u32 $0x1F00, s14;
	[tilespmem:s6+$0x80] =	vst v2;
	s17 =	sor.u32 s17, s19;
	v2 =	vor.u32 $0x80, v7  }
0x182: {  	s4 =	sor.u32 s4, s19;
	s14 =	sadd.s32 $0xB000, s14;
	v0 =	vld.idx.msk [tilespmem:v0+s10+$0x0], $0xffff;
	[tilespmem:s17+$0x0] =	vst v10  }
0x183: {  	s19 =	sor.u32 s29, s14;
	v4 =	vld.idx.msk [tilespmem:v4+s10+$0x0], $0xffff;
	[tilespmem:s4+$0x0] =	vst v11  }
0x184: {  	s14 =	sor.u32 s25, s14;
	v3 =	vld.idx.msk [tilespmem:v3+s10+$0x0], $0xffff;
	[tilespmem:s19+$0x0] =	vst v6  }
0x185: {  	[tilespmem:s14+$0x0] =	vst v1;
	v1 =	vld.idx.msk [tilespmem:v8+s10+$0x0], $0xffff  }
0x186: {  	[tilespmem:s0+$0x80] =	vst v5;
	v2 =	vld.idx.msk [tilespmem:v2+s10+$0x0], $0xffff  }
0x187: {  	[tilespmem:s15+$0x80] =	vst v0  }
0x188: {  	[tilespmem:s17+$0x80] =	vst v4  }
0x189: {  	[tilespmem:s4+$0x80] =	vst v3  }
0x18a: {  	[tilespmem:s19+$0x80] =	vst v1  }
0x18b: {  	s0 =	rddreg [dreg:$0x4];
	[tilespmem:s14+$0x80] =	vst v2  }
0x18c: {  	s21 =	simm.s32 $0xB000;
	s3 =	sadd.s32 s0, s3;
	s20 =	rddreg [dreg:$0x12]  }
0x18d: {  	s1 =	sand.u32 $0x7FF000, s1;
	s22 =	rddreg [dreg:$0x13];
	s0 =	sadd.s32 s3, s20  }
0x18e: {  	[hbm4b:s0+s2] =	stream.strided.scatter [tilespmem:s21], [sflag:$0x6], $0x2000, s8, s2, $0x38;
	[tilespmem:$0x11000] =	vst v63  }
0x18f: {  	s0 =	sadd.s32 s1, s22  }
0x190: {  	[tilespmem:s10], [sflag:$0x2] =	stream.strided.gather [hbm4b:s0+s2], $0x2000, s8, s2, $0x38;
	[tilespmem:$0x11000] =	vst v63  }
0x191: {  	_ =	swait.ge [sflag:s18], $0x2000  }
0x192: {  	[sflag:s18] =	ssyncset.done $0x0  }
0x193: {  	s23 =	simm.s32 $0x0;
	[sflag:s18] =	ssyncadd.s32 $0xFFFFE000  }
0x194: {  	s24 =	sand.u32 $0x60, s23;
	_ =	swait.ge [sflag:s7], $0x2000  }
0x195: {  	s26 =	sor.u32 $0x10, s24;
	s15 =	sand.u32 $0xF80, s23;
	[sflag:s7] =	ssyncset.done $0x0  }
0x196: {  	s4 =	sor.u32 s26, s15;
	[sflag:s7] =	ssyncadd.s32 $0xFFFFE000  }
0x197: {  	v0 =	vld [tilespmem:s4+$0x0]  }
0x198: {  	s17 =	simm.s32 $0x20  }
0x199: {  	s15 =	sand.u32 $0x60, s17;
	v1 =	vld [tilespmem:s23+$0x0]  }
0x19a: {  	s19 =	sor.u32 $0x10, s15;
	s20 =	sand.u32 $0xF80, s17  }
0x19b: {  	s21 =	sor.u32 s19, s20;
	v2 =	vld [tilespmem:s17+$0x0]  }
0x19c: {  	v4 =	vld [tilespmem:s21+$0x0];
	v3 =	vshll.u32 v0, $0x1  }
0x19d: {  	v0 =	vand.u32 $0x7F, v0;
	v3 =	vand.u32 $0xFFFFFF00, v3  }
0x19e: {  	s22 =	simm.s32 $0x40;
	v3 =	vor.u32 v0, v3;
	v0 =	vshll.u32 v1, $0x1  }
0x19f: {  	s4 =	sand.u32 $0x60, s22;
	v1 =	vand.u32 $0x7F, v1;
	v0 =	vand.u32 $0xFFFFFF00, v0  }
0x1a0: {  	s21 =	sand.u32 $0xF80, s22;
	s17 =	sor.u32 $0x10, s4;
	v1 =	vor.u32 v1, v0;
	v0 =	vshll.u32 v2, $0x1  }
0x1a1: {  	s21 =	sor.u32 s17, s21;
	v5 =	vshll.u32 v4, $0x1;
	v2 =	vand.u32 $0x7F, v2;
	v0 =	vand.u32 $0xFFFFFF00, v0  }
0x1a2: {  	v0 =	vor.u32 v2, v0;
	v2 =	vand.u32 $0x7F, v4;
	v4 =	vand.u32 $0xFFFFFF00, v5;
	v5 =	vld [tilespmem:s21+$0x0]  }
0x1a3: {  	v6 =	vld.idx.msk [tilespmem:v3+s12+$0x0], $0xffff  }
0x1a4: {  	v2 =	vor.u32 v2, v4  }
0x1a5: {  	s0 =	sand.u32 $0x1F00, s23;
	v8 =	vld [tilespmem:s22+$0x0];
	v3 =	vor.u32 $0x80, v3  }
0x1a6: {  	s0 =	sadd.s32 $0xD000, s0;
	s21 =	simm.s32 $0x60;
	v9 =	vld.idx.msk [tilespmem:v1+s12+$0x0], $0xffff  }
0x1a7: {  	s20 =	sor.u32 s26, s0;
	v11 =	vor.u32 $0x80, v1;
	v7 =	vld [tilespmem:s21+$0x0]  }
0x1a8: {  	s25 =	sand.u32 $0x60, s21;
	v1 =	vld.idx.msk [tilespmem:v0+s12+$0x0], $0xffff;
	[tilespmem:s20+$0x0] =	vst v6;
	v6 =	vshll.u32 v5, $0x1  }
0x1a9: {  	s23 =	sand.u32 $0xF80, s21;
	s29 =	sor.u32 $0x10, s25;
	v4 =	vld.idx.msk [tilespmem:v2+s12+$0x0], $0xffff;
	v6 =	vand.u32 $0xFFFFFF00, v6  }
0x1aa: {  	s6 =	sor.u32 s24, s0;
	s22 =	simm.s32 $0x40;
	v10 =	vshll.u32 v8, $0x1;
	s24 =	sor.u32 s29, s23;
	v5 =	vand.u32 $0x7F, v5;
	v3 =	vld.idx.msk [tilespmem:v3+s12+$0x0], $0xffff  }
0x1ab: {  	s26 =	sand.u32 $0x1F00, s22;
	v8 =	vand.u32 $0x7F, v8;
	v63 =	vand.u32 $0xFFFFFF00, v10;
	[tilespmem:s6+$0x0] =	vst v9;
	v9 =	vld [tilespmem:s24+$0x0];
	v10 =	vor.u32 v5, v6  }
0x1ac: {  	s26 =	sadd.s32 $0xD000, s26;
	v8 =	vor.u32 v8, v63;
	s23 =	simm.s32 $0x6;
	v5 =	vor.u32 $0x80, v2;
	s24 =	simm.s32 $0x80;
	v2 =	vld.idx.msk [tilespmem:v11+s12+$0x0], $0xffff;
	v6 =	vmov v10  }
.LBB2_15:
0x1ad: {  	s21 =	sadd.s32 $0x20, s21;
	s0 =	sor.u32 s15, s26  }
0x1ae: {  	v11 =	vld [tilespmem:s24+$0x0];
	v12 =	vor.u32 $0x80, v0;
	s14 =	sor.u32 s19, s26;
	v13 =	vmov v1;
	v0 =	vmov v8;
	s15 =	smov.u32 s4;
	s23 =	sadd.s32 $0x2, s23  }
0x1af: {  	v14 =	vshll.u32 v7, $0x1;
	s4 =	smov.u32 s25;
	v1 =	vld.idx.msk [tilespmem:v8+s12+$0x0], $0xffff;
	[tilespmem:s14+$0x0] =	vst v4;
	s25 =	sand.u32 $0x60, s21;
	p0 =	slt.u32 s23, $0xFE  }
.Ltmp6:
0x1b0: {  	v7 =	vand.u32 $0x7F, v7;
	s19 =	sand.u32 $0xF80, s21;
	v8 =	vand.u32 $0xFFFFFF00, v14;
	s26 =	sor.u32 $0x10, s25;
	v14 =	vshll.u32 v9, $0x1;
	v4 =	vld.idx.msk [tilespmem:v10+s12+$0x0], $0xffff;
	[tilespmem:s20+$0x80] =	vst v3;
	(pc) =	sbr.rel @p0 .LBB2_15-.Ltmp6, $4  }
0x1b1: {  	v8 =	vor.u32 v7, v8;
	v15 =	vand.u32 $0x7F, v9;
	s20 =	smov.u32 s14;
	s19 =	sor.u32 s26, s19;
	v10 =	vand.u32 $0xFFFFFF00, v14;
	[tilespmem:s0+$0x0] =	vst v13;
	v3 =	vld.idx.msk [tilespmem:v5+s12+$0x0], $0xffff  }
0x1b2: {  	s22 =	sadd.s32 $0x40, s22;
	v9 =	vld [tilespmem:s19+$0x0];
	v10 =	vor.u32 v15, v10;
	[tilespmem:s6+$0x80] =	vst v2;
	s6 =	smov.u32 s0;
	s19 =	smov.u32 s17  }
0x1b3: {  	v5 =	vor.u32 $0x80, v6;
	s0 =	sand.u32 $0x1F00, s22;
	s17 =	smov.u32 s29;
	s29 =	smov.u32 s26;
	v2 =	vld.idx.msk [tilespmem:v12+s12+$0x0], $0xffff;
	v7 =	vmov v11;
	v6 =	vmov v10  }
0x1b4: {  	s24 =	sadd.s32 $0x20, s24;
	s26 =	sadd.s32 $0xD000, s0  }
0x1b5: {  	_ = 	snop  }
0x1b6: {  	v12 =	vshll.u32 v7, $0x1  }
0x1b7: {  	v7 =	vand.u32 $0x7F, v7;
	v12 =	vand.u32 $0xFFFFFF00, v12;
	v11 =	vshll.u32 v9, $0x1  }
0x1b8: {  	v9 =	vand.u32 $0x7F, v9;
	v7 =	vor.u32 v7, v12;
	v11 =	vand.u32 $0xFFFFFF00, v11  }
0x1b9: {  	v9 =	vor.u32 v9, v11  }
0x1ba: {  	s0 =	sor.u32 s19, s26  }
0x1bb: {  	v0 =	vor.u32 $0x80, v0;
	v10 =	vld.idx.msk [tilespmem:v10+s12+$0x0], $0xffff;
	[tilespmem:s0+$0x0] =	vst v4  }
0x1bc: {  	s14 =	sadd.s32 $0x40, s22;
	s15 =	sor.u32 s15, s26;
	v4 =	vor.u32 $0x80, v6;
	[tilespmem:s20+$0x80] =	vst v3;
	v11 =	vld.idx.msk [tilespmem:v8+s12+$0x0], $0xffff  }
0x1bd: {  	s26 =	sand.u32 $0x1F00, s14;
	v3 =	vor.u32 $0x80, v8;
	[tilespmem:s15+$0x0] =	vst v1;
	v1 =	vld.idx.msk [tilespmem:v7+s12+$0x0], $0xffff  }
0x1be: {  	s14 =	sadd.s32 $0x40, s14;
	s19 =	sadd.s32 $0xD000, s26;
	[tilespmem:s6+$0x80] =	vst v2;
	v2 =	vor.u32 $0x80, v7;
	v6 =	vld.idx.msk [tilespmem:v9+s12+$0x0], $0xffff  }
0x1bf: {  	v5 =	vld.idx.msk [tilespmem:v5+s12+$0x0], $0xffff;
	s14 =	sand.u32 $0x1F00, s14;
	s17 =	sor.u32 s17, s19;
	v8 =	vor.u32 $0x80, v9  }
0x1c0: {  	s4 =	sor.u32 s4, s19;
	s14 =	sadd.s32 $0xD000, s14;
	v0 =	vld.idx.msk [tilespmem:v0+s12+$0x0], $0xffff;
	[tilespmem:s17+$0x0] =	vst v10  }
0x1c1: {  	s20 =	sor.u32 s29, s14;
	s14 =	sor.u32 s25, s14;
	v4 =	vld.idx.msk [tilespmem:v4+s12+$0x0], $0xffff;
	[tilespmem:s4+$0x0] =	vst v11  }
0x1c2: {  	v3 =	vld.idx.msk [tilespmem:v3+s12+$0x0], $0xffff;
	[tilespmem:s14+$0x0] =	vst v1  }
0x1c3: {  	v2 =	vld.idx.msk [tilespmem:v2+s12+$0x0], $0xffff;
	[tilespmem:s20+$0x0] =	vst v6  }
0x1c4: {  	[tilespmem:s0+$0x80] =	vst v5;
	v1 =	vld.idx.msk [tilespmem:v8+s12+$0x0], $0xffff  }
0x1c5: {  	[tilespmem:s15+$0x80] =	vst v0  }
0x1c6: {  	[tilespmem:s17+$0x80] =	vst v4  }
0x1c7: {  	[tilespmem:s4+$0x80] =	vst v3  }
0x1c8: {  	[tilespmem:s14+$0x80] =	vst v2  }
0x1c9: {  	[tilespmem:s20+$0x80] =	vst v1  }
0x1ca: {  	s0 =	rddreg [dreg:$0x14]  }
0x1cb: {  	s21 =	simm.s32 $0xD000;
	s22 =	rddreg [dreg:$0x15];
	s0 =	sadd.s32 s3, s0  }
0x1cc: {  	[hbm4b:s0+s2] =	stream.strided.scatter [tilespmem:s21], [sflag:$0x7], $0x2000, s8, s2, $0x38;
	[tilespmem:$0x11000] =	vst v63  }
0x1cd: {  	s0 =	sadd.s32 s1, s22  }
0x1ce: {  	[tilespmem:s12], [sflag:$0x3] =	stream.strided.gather [hbm4b:s0+s2], $0x2000, s8, s2, $0x38;
	[tilespmem:$0x11000] =	vst v63  }
0x1cf: {  	_ =	swait.ge [sflag:s28], $0x2000  }
0x1d0: {  	[sflag:s28] =	ssyncset.done $0x0  }
0x1d1: {  	s23 =	simm.s32 $0x0;
	[sflag:s28] =	ssyncadd.s32 $0xFFFFE000  }
0x1d2: {  	s24 =	sand.u32 $0x60, s23;
	_ =	swait.ge [sflag:s11], $0x2000  }
0x1d3: {  	s26 =	sor.u32 $0x10, s24;
	s15 =	sand.u32 $0xF80, s23;
	[sflag:s11] =	ssyncset.done $0x0  }
0x1d4: {  	s4 =	sor.u32 s26, s15;
	[sflag:s11] =	ssyncadd.s32 $0xFFFFE000  }
0x1d5: {  	v0 =	vld [tilespmem:s4+$0x0]  }
0x1d6: {  	s17 =	simm.s32 $0x20  }
0x1d7: {  	s15 =	sand.u32 $0x60, s17;
	v1 =	vld [tilespmem:s23+$0x0]  }
0x1d8: {  	s19 =	sor.u32 $0x10, s15;
	s20 =	sand.u32 $0xF80, s17  }
0x1d9: {  	s21 =	sor.u32 s19, s20;
	v2 =	vld [tilespmem:s17+$0x0]  }
0x1da: {  	v4 =	vld [tilespmem:s21+$0x0];
	v3 =	vshll.u32 v0, $0x1  }
0x1db: {  	v0 =	vand.u32 $0x7F, v0;
	v3 =	vand.u32 $0xFFFFFF00, v3  }
0x1dc: {  	s22 =	simm.s32 $0x40;
	v3 =	vor.u32 v0, v3;
	v0 =	vshll.u32 v1, $0x1  }
0x1dd: {  	s4 =	sand.u32 $0x60, s22;
	v1 =	vand.u32 $0x7F, v1;
	v0 =	vand.u32 $0xFFFFFF00, v0  }
0x1de: {  	s21 =	sand.u32 $0xF80, s22;
	s17 =	sor.u32 $0x10, s4;
	v1 =	vor.u32 v1, v0;
	v0 =	vshll.u32 v2, $0x1  }
0x1df: {  	s21 =	sor.u32 s17, s21;
	v5 =	vshll.u32 v4, $0x1;
	v2 =	vand.u32 $0x7F, v2;
	v0 =	vand.u32 $0xFFFFFF00, v0  }
0x1e0: {  	v0 =	vor.u32 v2, v0;
	v2 =	vand.u32 $0x7F, v4;
	v4 =	vand.u32 $0xFFFFFF00, v5;
	v5 =	vld [tilespmem:s21+$0x0]  }
0x1e1: {  	v6 =	vld.idx.msk [tilespmem:v3+s13+$0x0], $0xffff  }
0x1e2: {  	v2 =	vor.u32 v2, v4  }
0x1e3: {  	s0 =	sand.u32 $0x1F00, s23;
	v8 =	vld [tilespmem:s22+$0x0];
	v3 =	vor.u32 $0x80, v3  }
0x1e4: {  	s0 =	sadd.s32 $0xF000, s0;
	s21 =	simm.s32 $0x60;
	v9 =	vld.idx.msk [tilespmem:v1+s13+$0x0], $0xffff  }
0x1e5: {  	s20 =	sor.u32 s26, s0;
	v11 =	vor.u32 $0x80, v1;
	v7 =	vld [tilespmem:s21+$0x0]  }
0x1e6: {  	s25 =	sand.u32 $0x60, s21;
	v1 =	vld.idx.msk [tilespmem:v0+s13+$0x0], $0xffff;
	[tilespmem:s20+$0x0] =	vst v6;
	v6 =	vshll.u32 v5, $0x1  }
0x1e7: {  	s23 =	sand.u32 $0xF80, s21;
	s29 =	sor.u32 $0x10, s25;
	v4 =	vld.idx.msk [tilespmem:v2+s13+$0x0], $0xffff;
	v6 =	vand.u32 $0xFFFFFF00, v6  }
0x1e8: {  	s6 =	sor.u32 s24, s0;
	s22 =	simm.s32 $0x40;
	v10 =	vshll.u32 v8, $0x1;
	s24 =	sor.u32 s29, s23;
	v5 =	vand.u32 $0x7F, v5;
	v3 =	vld.idx.msk [tilespmem:v3+s13+$0x0], $0xffff  }
0x1e9: {  	s26 =	sand.u32 $0x1F00, s22;
	v8 =	vand.u32 $0x7F, v8;
	v63 =	vand.u32 $0xFFFFFF00, v10;
	[tilespmem:s6+$0x0] =	vst v9;
	v9 =	vld [tilespmem:s24+$0x0];
	v10 =	vor.u32 v5, v6  }
0x1ea: {  	s26 =	sadd.s32 $0xF000, s26;
	v8 =	vor.u32 v8, v63;
	s23 =	simm.s32 $0x6;
	v5 =	vor.u32 $0x80, v2;
	s24 =	simm.s32 $0x80;
	v2 =	vld.idx.msk [tilespmem:v11+s13+$0x0], $0xffff;
	v6 =	vmov v10  }
.LBB2_17:
0x1eb: {  	s21 =	sadd.s32 $0x20, s21;
	s0 =	sor.u32 s15, s26  }
0x1ec: {  	v11 =	vld [tilespmem:s24+$0x0];
	v12 =	vor.u32 $0x80, v0;
	s14 =	sor.u32 s19, s26;
	v13 =	vmov v1;
	v0 =	vmov v8;
	s15 =	smov.u32 s4;
	s23 =	sadd.s32 $0x2, s23  }
0x1ed: {  	v14 =	vshll.u32 v7, $0x1;
	s4 =	smov.u32 s25;
	v1 =	vld.idx.msk [tilespmem:v8+s13+$0x0], $0xffff;
	[tilespmem:s14+$0x0] =	vst v4;
	s25 =	sand.u32 $0x60, s21;
	p0 =	slt.u32 s23, $0xFE  }
.Ltmp7:
0x1ee: {  	v7 =	vand.u32 $0x7F, v7;
	s19 =	sand.u32 $0xF80, s21;
	v8 =	vand.u32 $0xFFFFFF00, v14;
	s26 =	sor.u32 $0x10, s25;
	v14 =	vshll.u32 v9, $0x1;
	v4 =	vld.idx.msk [tilespmem:v10+s13+$0x0], $0xffff;
	[tilespmem:s20+$0x80] =	vst v3;
	(pc) =	sbr.rel @p0 .LBB2_17-.Ltmp7, $4  }
0x1ef: {  	v8 =	vor.u32 v7, v8;
	v15 =	vand.u32 $0x7F, v9;
	s20 =	smov.u32 s14;
	s19 =	sor.u32 s26, s19;
	v10 =	vand.u32 $0xFFFFFF00, v14;
	[tilespmem:s0+$0x0] =	vst v13;
	v3 =	vld.idx.msk [tilespmem:v5+s13+$0x0], $0xffff  }
0x1f0: {  	s22 =	sadd.s32 $0x40, s22;
	v9 =	vld [tilespmem:s19+$0x0];
	v10 =	vor.u32 v15, v10;
	[tilespmem:s6+$0x80] =	vst v2;
	s6 =	smov.u32 s0;
	s19 =	smov.u32 s17  }
0x1f1: {  	v5 =	vor.u32 $0x80, v6;
	s0 =	sand.u32 $0x1F00, s22;
	s17 =	smov.u32 s29;
	s29 =	smov.u32 s26;
	v2 =	vld.idx.msk [tilespmem:v12+s13+$0x0], $0xffff;
	v7 =	vmov v11;
	v6 =	vmov v10  }
0x1f2: {  	s24 =	sadd.s32 $0x20, s24;
	s26 =	sadd.s32 $0xF000, s0  }
0x1f3: {  	_ = 	snop  }
0x1f4: {  	v12 =	vshll.u32 v7, $0x1  }
0x1f5: {  	v55 =	vand.u32 $0x7F, v7;
	v12 =	vand.u32 $0xFFFFFF00, v12;
	v11 =	vshll.u32 v9, $0x1  }
0x1f6: {  	v54 =	vand.u32 $0x7F, v9;
	v7 =	vor.u32 v55, v12;
	v11 =	vand.u32 $0xFFFFFF00, v11  }
0x1f7: {  	v9 =	vor.u32 v54, v11;
	_ =	sdelay $0x1  }
0x1f8: {  	v0 =	vor.u32 $0x80, v0;
	s0 =	sor.u32 s19, s26;
	v10 =	vld.idx.msk [tilespmem:v10+s13+$0x0], $0xffff  }
0x1f9: {  	v56 =	vld.idx.msk [tilespmem:v8+s13+$0x0], $0xffff;
	s14 =	sadd.s32 $0x40, s22;
	v57 =	vor.u32 $0x80, v6;
	[tilespmem:s0+$0x0] =	vst v4  }
0x1fa: {  	s15 =	sor.u32 s15, s26;
	v58 =	vor.u32 $0x80, v8;
	[tilespmem:s20+$0x80] =	vst v3;
	s22 =	sand.u32 $0x1F00, s14;
	v60 =	vld.idx.msk [tilespmem:v7+s13+$0x0], $0xffff  }
0x1fb: {  	[tilespmem:s15+$0x0] =	vst v1;
	s14 =	sadd.s32 $0x40, s14;
	s19 =	sadd.s32 $0xF000, s22;
	v62 =	vor.u32 $0x80, v7;
	v59 =	vld.idx.msk [tilespmem:v9+s13+$0x0], $0xffff  }
0x1fc: {  	v5 =	vld.idx.msk [tilespmem:v5+s13+$0x0], $0xffff;
	s14 =	sand.u32 $0x1F00, s14;
	[tilespmem:s6+$0x80] =	vst v2;
	s23 =	sor.u32 s17, s19;
	v61 =	vor.u32 $0x80, v9  }
0x1fd: {  	s4 =	sor.u32 s4, s19;
	s14 =	sadd.s32 $0xF000, s14;
	v0 =	vld.idx.msk [tilespmem:v0+s13+$0x0], $0xffff;
	[tilespmem:s23+$0x0] =	vst v10  }
0x1fe: {  	s24 =	sor.u32 s29, s14;
	s14 =	sor.u32 s25, s14;
	[tilespmem:s4+$0x0] =	vst v56;
	v4 =	vld.idx.msk [tilespmem:v57+s13+$0x0], $0xffff  }
0x1ff: {  	v3 =	vld.idx.msk [tilespmem:v58+s13+$0x0], $0xffff;
	[tilespmem:s14+$0x0] =	vst v60  }
0x200: {  	v2 =	vld.idx.msk [tilespmem:v62+s13+$0x0], $0xffff;
	[tilespmem:s24+$0x0] =	vst v59  }
0x201: {  	[tilespmem:s0+$0x80] =	vst v5;
	v63 =	vld.idx.msk [tilespmem:v61+s13+$0x0], $0xffff  }
0x202: {  	[tilespmem:s15+$0x80] =	vst v0  }
0x203: {  	[tilespmem:s23+$0x80] =	vst v4  }
0x204: {  	[tilespmem:s4+$0x80] =	vst v3  }
0x205: {  	s5 =	sadd.s32 $0x1, s5;
	[tilespmem:s14+$0x80] =	vst v2  }
0x206: {  	p0 =	sne.s32 s5, $0x1F;
	[tilespmem:s24+$0x80] =	vst v63  }
.Ltmp8:
0x207: {  	s0 =	rddreg [dreg:$0x16];
	(pc) =	sbr.rel @p0 .LBB2_10-.Ltmp8, $4  }
0x208: {  	s26 =	simm.s32 $0xF000;
	s29 =	rddreg [dreg:$0x18];
	s0 =	sadd.s32 s3, s0  }
0x209: {  	[hbm4b:s0+s2] =	stream.strided.scatter [tilespmem:s26], [sflag:$0x8], $0x2000, s8, s2, $0x38;
	[tilespmem:$0x11000] =	vst v63  }
0x20a: {  	s0 =	sadd.s32 s1, s29  }
0x20b: {  	[tilespmem:s13], [sflag:$0x4] =	stream.strided.gather [hbm4b:s0+s2], $0x2000, s8, s2, $0x38;
	[tilespmem:$0x11000] =	vst v63  }
0x20c: {  	s0 =	simm.s32 $0x1  }
0x20d: {  	_ =	swait.ge [sflag:s0], $0x2000  }
0x20e: {  	[sflag:s0] =	ssyncset.done $0x0  }
0x20f: {  	s22 =	simm.s32 $0x0;
	[sflag:s0] =	ssyncadd.s32 $0xFFFFE000  }
0x210: {  	s6 =	sand.u32 $0x60, s22;
	_ =	swait.ge [sflag:s30], $0x2000  }
0x211: {  	s1 =	sand.u32 $0xF80, s22;
	s5 =	sor.u32 $0x10, s6;
	[sflag:s30] =	ssyncset.done $0x0  }
0x212: {  	s1 =	sor.u32 s5, s1;
	[sflag:s30] =	ssyncadd.s32 $0xFFFFE000  }
0x213: {  	v0 =	vld [tilespmem:s1+$0x0]  }
0x214: {  	s23 =	simm.s32 $0x20  }
0x215: {  	s3 =	sand.u32 $0x60, s23;
	v1 =	vld [tilespmem:s22+$0x0]  }
0x216: {  	s4 =	sand.u32 $0xF80, s23;
	s17 =	sor.u32 $0x10, s3  }
0x217: {  	s24 =	sor.u32 s17, s4;
	v2 =	vld [tilespmem:s23+$0x0]  }
0x218: {  	v4 =	vld [tilespmem:s24+$0x0];
	v3 =	vshll.u32 v0, $0x1  }
0x219: {  	v0 =	vand.u32 $0x7F, v0;
	v3 =	vand.u32 $0xFFFFFF00, v3  }
0x21a: {  	s14 =	simm.s32 $0x40;
	v3 =	vor.u32 v0, v3;
	v0 =	vshll.u32 v1, $0x1  }
0x21b: {  	s1 =	sand.u32 $0x60, s14;
	v1 =	vand.u32 $0x7F, v1;
	v0 =	vand.u32 $0xFFFFFF00, v0  }
0x21c: {  	s15 =	sand.u32 $0xF80, s14;
	s4 =	sor.u32 $0x10, s1;
	v1 =	vor.u32 v1, v0;
	v0 =	vshll.u32 v2, $0x1  }
0x21d: {  	s15 =	sor.u32 s4, s15;
	v5 =	vshll.u32 v4, $0x1;
	v2 =	vand.u32 $0x7F, v2;
	v0 =	vand.u32 $0xFFFFFF00, v0  }
0x21e: {  	v0 =	vor.u32 v2, v0;
	v2 =	vand.u32 $0x7F, v4;
	v4 =	vand.u32 $0xFFFFFF00, v5;
	v5 =	vld [tilespmem:s15+$0x0]  }
0x21f: {  	v6 =	vld.idx.msk [tilespmem:v3+s9+$0x0], $0xffff  }
0x220: {  	v2 =	vor.u32 v2, v4  }
0x221: {  	s0 =	sand.u32 $0x1F00, s22;
	v8 =	vld [tilespmem:s14+$0x0];
	v3 =	vor.u32 $0x80, v3  }
0x222: {  	s20 =	simm.s32 $0x60;
	s0 =	sadd.s32 $0x9000, s0;
	v9 =	vld.idx.msk [tilespmem:v1+s9+$0x0], $0xffff  }
0x223: {  	s19 =	sor.u32 s5, s0;
	v7 =	vld [tilespmem:s20+$0x0];
	v11 =	vor.u32 $0x80, v1  }
0x224: {  	s5 =	sand.u32 $0x60, s20;
	v1 =	vld.idx.msk [tilespmem:v0+s9+$0x0], $0xffff;
	[tilespmem:s19+$0x0] =	vst v6;
	v6 =	vshll.u32 v5, $0x1  }
0x225: {  	s25 =	sand.u32 $0xF80, s20;
	s15 =	sor.u32 $0x10, s5;
	v4 =	vld.idx.msk [tilespmem:v2+s9+$0x0], $0xffff;
	v6 =	vand.u32 $0xFFFFFF00, v6  }
0x226: {  	s21 =	simm.s32 $0x40;
	s6 =	sor.u32 s6, s0;
	v10 =	vshll.u32 v8, $0x1;
	s26 =	sor.u32 s15, s25;
	v5 =	vand.u32 $0x7F, v5;
	v3 =	vld.idx.msk [tilespmem:v3+s9+$0x0], $0xffff  }
0x227: {  	s29 =	sand.u32 $0x1F00, s21;
	v8 =	vand.u32 $0x7F, v8;
	v12 =	vand.u32 $0xFFFFFF00, v10;
	[tilespmem:s6+$0x0] =	vst v9;
	v9 =	vld [tilespmem:s26+$0x0];
	v10 =	vor.u32 v5, v6  }
0x228: {  	s22 =	simm.s32 $0x6;
	s23 =	simm.s32 $0x80;
	s24 =	sadd.s32 $0x9000, s29;
	v8 =	vor.u32 v8, v12;
	v5 =	vor.u32 $0x80, v2;
	v2 =	vld.idx.msk [tilespmem:v11+s9+$0x0], $0xffff;
	v6 =	vmov v10  }
.LBB2_20:
0x229: {  	s20 =	sadd.s32 $0x20, s20;
	s0 =	sor.u32 s3, s24  }
0x22a: {  	v11 =	vld [tilespmem:s23+$0x0];
	v12 =	vor.u32 $0x80, v0;
	s14 =	sor.u32 s17, s24;
	v13 =	vmov v1;
	v0 =	vmov v8;
	s3 =	smov.u32 s1;
	s22 =	sadd.s32 $0x2, s22  }
0x22b: {  	v14 =	vshll.u32 v7, $0x1;
	s1 =	smov.u32 s5;
	v1 =	vld.idx.msk [tilespmem:v8+s9+$0x0], $0xffff;
	[tilespmem:s14+$0x0] =	vst v4;
	s5 =	sand.u32 $0x60, s20;
	p0 =	slt.u32 s22, $0xFE  }
.Ltmp9:
0x22c: {  	v7 =	vand.u32 $0x7F, v7;
	s17 =	sand.u32 $0xF80, s20;
	v8 =	vand.u32 $0xFFFFFF00, v14;
	s24 =	sor.u32 $0x10, s5;
	v14 =	vshll.u32 v9, $0x1;
	v4 =	vld.idx.msk [tilespmem:v10+s9+$0x0], $0xffff;
	[tilespmem:s19+$0x80] =	vst v3;
	(pc) =	sbr.rel @p0 .LBB2_20-.Ltmp9, $4  }
0x22d: {  	v8 =	vor.u32 v7, v8;
	v15 =	vand.u32 $0x7F, v9;
	s19 =	smov.u32 s14;
	s17 =	sor.u32 s24, s17;
	v10 =	vand.u32 $0xFFFFFF00, v14;
	[tilespmem:s0+$0x0] =	vst v13;
	v3 =	vld.idx.msk [tilespmem:v5+s9+$0x0], $0xffff  }
0x22e: {  	s21 =	sadd.s32 $0x40, s21;
	v9 =	vld [tilespmem:s17+$0x0];
	v10 =	vor.u32 v15, v10;
	[tilespmem:s6+$0x80] =	vst v2;
	s6 =	smov.u32 s0;
	s17 =	smov.u32 s4  }
0x22f: {  	v5 =	vor.u32 $0x80, v6;
	s0 =	sand.u32 $0x1F00, s21;
	s4 =	smov.u32 s15;
	s15 =	smov.u32 s24;
	v2 =	vld.idx.msk [tilespmem:v12+s9+$0x0], $0xffff;
	v7 =	vmov v11;
	v6 =	vmov v10  }
0x230: {  	s23 =	sadd.s32 $0x20, s23;
	s24 =	sadd.s32 $0x9000, s0  }
0x231: {  	_ = 	snop  }
0x232: {  	v12 =	vshll.u32 v7, $0x1  }
0x233: {  	v7 =	vand.u32 $0x7F, v7;
	v12 =	vand.u32 $0xFFFFFF00, v12;
	v11 =	vshll.u32 v9, $0x1  }
0x234: {  	v9 =	vand.u32 $0x7F, v9;
	v7 =	vor.u32 v7, v12;
	v11 =	vand.u32 $0xFFFFFF00, v11  }
0x235: {  	v9 =	vor.u32 v9, v11  }
0x236: {  	s0 =	sor.u32 s17, s24  }
0x237: {  	v0 =	vor.u32 $0x80, v0;
	v10 =	vld.idx.msk [tilespmem:v10+s9+$0x0], $0xffff;
	[tilespmem:s0+$0x0] =	vst v4  }
0x238: {  	s14 =	sadd.s32 $0x40, s21;
	s3 =	sor.u32 s3, s24;
	v4 =	vor.u32 $0x80, v6;
	[tilespmem:s19+$0x80] =	vst v3;
	v11 =	vld.idx.msk [tilespmem:v8+s9+$0x0], $0xffff  }
0x239: {  	s21 =	sand.u32 $0x1F00, s14;
	v3 =	vor.u32 $0x80, v8;
	[tilespmem:s3+$0x0] =	vst v1;
	v1 =	vld.idx.msk [tilespmem:v7+s9+$0x0], $0xffff  }
0x23a: {  	s14 =	sadd.s32 $0x40, s14;
	s17 =	sadd.s32 $0x9000, s21;
	[tilespmem:s6+$0x80] =	vst v2;
	v2 =	vor.u32 $0x80, v7;
	v6 =	vld.idx.msk [tilespmem:v9+s9+$0x0], $0xffff  }
0x23b: {  	v5 =	vld.idx.msk [tilespmem:v5+s9+$0x0], $0xffff;
	s22 =	sand.u32 $0x1F00, s14;
	s4 =	sor.u32 s4, s17;
	v8 =	vor.u32 $0x80, v9  }
0x23c: {  	s1 =	sor.u32 s1, s17;
	s6 =	sadd.s32 $0x9000, s22;
	v0 =	vld.idx.msk [tilespmem:v0+s9+$0x0], $0xffff;
	[tilespmem:s4+$0x0] =	vst v10  }
0x23d: {  	s5 =	sor.u32 s5, s6;
	v4 =	vld.idx.msk [tilespmem:v4+s9+$0x0], $0xffff;
	[tilespmem:s1+$0x0] =	vst v11  }
0x23e: {  	s23 =	sor.u32 s15, s6;
	v3 =	vld.idx.msk [tilespmem:v3+s9+$0x0], $0xffff;
	[tilespmem:s5+$0x0] =	vst v1  }
0x23f: {  	v2 =	vld.idx.msk [tilespmem:v2+s9+$0x0], $0xffff;
	[tilespmem:s23+$0x0] =	vst v6  }
0x240: {  	[tilespmem:s0+$0x80] =	vst v5;
	v1 =	vld.idx.msk [tilespmem:v8+s9+$0x0], $0xffff  }
0x241: {  	[tilespmem:s3+$0x80] =	vst v0  }
0x242: {  	[tilespmem:s4+$0x80] =	vst v4  }
0x243: {  	[tilespmem:s1+$0x80] =	vst v3  }
0x244: {  	[tilespmem:s5+$0x80] =	vst v2  }
0x245: {  	[tilespmem:s23+$0x80] =	vst v1  }
0x246: {  	s24 =	simm.s32 $0x9000;
	s0 =	rddreg [dreg:$0x19]  }
0x247: {  	[hbm4b:s0+s2] =	stream.strided.scatter [tilespmem:s24], [sflag:$0x5], $0x2000, s8, s2, $0x38;
	[tilespmem:$0x11000] =	vst v63  }
0x248: {  	_ =	swait.ge [sflag:s16], $0x2000  }
0x249: {  	[sflag:s16] =	ssyncset.done $0x0  }
0x24a: {  	s25 =	simm.s32 $0x0;
	[sflag:s16] =	ssyncadd.s32 $0xFFFFE000  }
0x24b: {  	s26 =	sand.u32 $0x60, s25;
	_ =	swait.ge [sflag:s31], $0x2000  }
0x24c: {  	s19 =	sand.u32 $0xF80, s25;
	s29 =	sor.u32 $0x10, s26;
	[sflag:s31] =	ssyncset.done $0x0  }
0x24d: {  	s1 =	sor.u32 s29, s19;
	[sflag:s31] =	ssyncadd.s32 $0xFFFFE000  }
0x24e: {  	v0 =	vld [tilespmem:s1+$0x0]  }
0x24f: {  	s20 =	simm.s32 $0x20  }
0x250: {  	s3 =	sand.u32 $0x60, s20;
	v1 =	vld [tilespmem:s25+$0x0]  }
0x251: {  	s21 =	sand.u32 $0xF80, s20;
	s17 =	sor.u32 $0x10, s3  }
0x252: {  	s22 =	sor.u32 s17, s21;
	v2 =	vld [tilespmem:s20+$0x0]  }
0x253: {  	v4 =	vld [tilespmem:s22+$0x0];
	v3 =	vshll.u32 v0, $0x1  }
0x254: {  	v0 =	vand.u32 $0x7F, v0;
	v3 =	vand.u32 $0xFFFFFF00, v3  }
0x255: {  	s23 =	simm.s32 $0x40;
	v3 =	vor.u32 v0, v3;
	v0 =	vshll.u32 v1, $0x1  }
0x256: {  	s1 =	sand.u32 $0x60, s23;
	v1 =	vand.u32 $0x7F, v1;
	v0 =	vand.u32 $0xFFFFFF00, v0  }
0x257: {  	s24 =	sand.u32 $0xF80, s23;
	s4 =	sor.u32 $0x10, s1;
	v1 =	vor.u32 v1, v0;
	v0 =	vshll.u32 v2, $0x1  }
0x258: {  	s15 =	sor.u32 s4, s24;
	v5 =	vshll.u32 v4, $0x1;
	v2 =	vand.u32 $0x7F, v2;
	v0 =	vand.u32 $0xFFFFFF00, v0  }
0x259: {  	v0 =	vor.u32 v2, v0;
	v2 =	vand.u32 $0x7F, v4;
	v4 =	vand.u32 $0xFFFFFF00, v5;
	v5 =	vld [tilespmem:s15+$0x0]  }
0x25a: {  	v6 =	vld.idx.msk [tilespmem:v3+s10+$0x0], $0xffff  }
0x25b: {  	v2 =	vor.u32 v2, v4  }
0x25c: {  	s0 =	sand.u32 $0x1F00, s25;
	v8 =	vld [tilespmem:s23+$0x0];
	v3 =	vor.u32 $0x80, v3  }
0x25d: {  	s0 =	sadd.s32 $0xB000, s0;
	s20 =	simm.s32 $0x60;
	v9 =	vld.idx.msk [tilespmem:v1+s10+$0x0], $0xffff  }
0x25e: {  	s19 =	sor.u32 s29, s0;
	v7 =	vld [tilespmem:s20+$0x0];
	v11 =	vor.u32 $0x80, v1  }
0x25f: {  	s5 =	sand.u32 $0x60, s20;
	v1 =	vld.idx.msk [tilespmem:v0+s10+$0x0], $0xffff;
	[tilespmem:s19+$0x0] =	vst v6;
	v6 =	vshll.u32 v5, $0x1  }
0x260: {  	s25 =	sand.u32 $0xF80, s20;
	s15 =	sor.u32 $0x10, s5;
	v4 =	vld.idx.msk [tilespmem:v2+s10+$0x0], $0xffff;
	v6 =	vand.u32 $0xFFFFFF00, v6  }
0x261: {  	s21 =	simm.s32 $0x40;
	s6 =	sor.u32 s26, s0;
	v10 =	vshll.u32 v8, $0x1;
	s26 =	sor.u32 s15, s25;
	v5 =	vand.u32 $0x7F, v5;
	v3 =	vld.idx.msk [tilespmem:v3+s10+$0x0], $0xffff  }
0x262: {  	s29 =	sand.u32 $0x1F00, s21;
	v8 =	vand.u32 $0x7F, v8;
	v63 =	vand.u32 $0xFFFFFF00, v10;
	[tilespmem:s6+$0x0] =	vst v9;
	v9 =	vld [tilespmem:s26+$0x0];
	v10 =	vor.u32 v5, v6  }
0x263: {  	s22 =	simm.s32 $0x6;
	s23 =	simm.s32 $0x80;
	s24 =	sadd.s32 $0xB000, s29;
	v8 =	vor.u32 v8, v63;
	v5 =	vor.u32 $0x80, v2;
	v2 =	vld.idx.msk [tilespmem:v11+s10+$0x0], $0xffff;
	v6 =	vmov v10  }
.LBB2_22:
0x264: {  	s20 =	sadd.s32 $0x20, s20;
	s0 =	sor.u32 s3, s24  }
0x265: {  	v11 =	vld [tilespmem:s23+$0x0];
	v12 =	vor.u32 $0x80, v0;
	s14 =	sor.u32 s17, s24;
	v13 =	vmov v1;
	v0 =	vmov v8;
	s3 =	smov.u32 s1;
	s22 =	sadd.s32 $0x2, s22  }
0x266: {  	v14 =	vshll.u32 v7, $0x1;
	s1 =	smov.u32 s5;
	v1 =	vld.idx.msk [tilespmem:v8+s10+$0x0], $0xffff;
	[tilespmem:s14+$0x0] =	vst v4;
	s5 =	sand.u32 $0x60, s20;
	p0 =	slt.u32 s22, $0xFE  }
.Ltmp10:
0x267: {  	v7 =	vand.u32 $0x7F, v7;
	s17 =	sand.u32 $0xF80, s20;
	v8 =	vand.u32 $0xFFFFFF00, v14;
	s24 =	sor.u32 $0x10, s5;
	v14 =	vshll.u32 v9, $0x1;
	v4 =	vld.idx.msk [tilespmem:v10+s10+$0x0], $0xffff;
	[tilespmem:s19+$0x80] =	vst v3;
	(pc) =	sbr.rel @p0 .LBB2_22-.Ltmp10, $4  }
0x268: {  	v8 =	vor.u32 v7, v8;
	v15 =	vand.u32 $0x7F, v9;
	s19 =	smov.u32 s14;
	s17 =	sor.u32 s24, s17;
	v10 =	vand.u32 $0xFFFFFF00, v14;
	[tilespmem:s0+$0x0] =	vst v13;
	v3 =	vld.idx.msk [tilespmem:v5+s10+$0x0], $0xffff  }
0x269: {  	s21 =	sadd.s32 $0x40, s21;
	v9 =	vld [tilespmem:s17+$0x0];
	v10 =	vor.u32 v15, v10;
	[tilespmem:s6+$0x80] =	vst v2;
	s6 =	smov.u32 s0;
	s17 =	smov.u32 s4  }
0x26a: {  	v5 =	vor.u32 $0x80, v6;
	s0 =	sand.u32 $0x1F00, s21;
	s4 =	smov.u32 s15;
	s15 =	smov.u32 s24;
	v2 =	vld.idx.msk [tilespmem:v12+s10+$0x0], $0xffff;
	v7 =	vmov v11;
	v6 =	vmov v10  }
0x26b: {  	s23 =	sadd.s32 $0x20, s23;
	s24 =	sadd.s32 $0xB000, s0  }
0x26c: {  	_ = 	snop  }
0x26d: {  	v12 =	vshll.u32 v7, $0x1  }
0x26e: {  	v7 =	vand.u32 $0x7F, v7;
	v12 =	vand.u32 $0xFFFFFF00, v12;
	v11 =	vshll.u32 v9, $0x1  }
0x26f: {  	v9 =	vand.u32 $0x7F, v9;
	v7 =	vor.u32 v7, v12;
	v11 =	vand.u32 $0xFFFFFF00, v11  }
0x270: {  	v9 =	vor.u32 v9, v11  }
0x271: {  	s0 =	sor.u32 s17, s24  }
0x272: {  	v0 =	vor.u32 $0x80, v0;
	v10 =	vld.idx.msk [tilespmem:v10+s10+$0x0], $0xffff;
	[tilespmem:s0+$0x0] =	vst v4  }
0x273: {  	s14 =	sadd.s32 $0x40, s21;
	s3 =	sor.u32 s3, s24;
	v4 =	vor.u32 $0x80, v6;
	[tilespmem:s19+$0x80] =	vst v3;
	v11 =	vld.idx.msk [tilespmem:v8+s10+$0x0], $0xffff  }
0x274: {  	s21 =	sand.u32 $0x1F00, s14;
	v3 =	vor.u32 $0x80, v8;
	[tilespmem:s3+$0x0] =	vst v1;
	v1 =	vld.idx.msk [tilespmem:v7+s10+$0x0], $0xffff  }
0x275: {  	s14 =	sadd.s32 $0x40, s14;
	s17 =	sadd.s32 $0xB000, s21;
	[tilespmem:s6+$0x80] =	vst v2;
	v2 =	vor.u32 $0x80, v7;
	v6 =	vld.idx.msk [tilespmem:v9+s10+$0x0], $0xffff  }
0x276: {  	v5 =	vld.idx.msk [tilespmem:v5+s10+$0x0], $0xffff;
	s22 =	sand.u32 $0x1F00, s14;
	s4 =	sor.u32 s4, s17;
	v8 =	vor.u32 $0x80, v9  }
0x277: {  	s1 =	sor.u32 s1, s17;
	s6 =	sadd.s32 $0xB000, s22;
	v0 =	vld.idx.msk [tilespmem:v0+s10+$0x0], $0xffff;
	[tilespmem:s4+$0x0] =	vst v10  }
0x278: {  	s5 =	sor.u32 s5, s6;
	v4 =	vld.idx.msk [tilespmem:v4+s10+$0x0], $0xffff;
	[tilespmem:s1+$0x0] =	vst v11  }
0x279: {  	s23 =	sor.u32 s15, s6;
	v3 =	vld.idx.msk [tilespmem:v3+s10+$0x0], $0xffff;
	[tilespmem:s5+$0x0] =	vst v1  }
0x27a: {  	v2 =	vld.idx.msk [tilespmem:v2+s10+$0x0], $0xffff;
	[tilespmem:s23+$0x0] =	vst v6  }
0x27b: {  	[tilespmem:s0+$0x80] =	vst v5;
	v1 =	vld.idx.msk [tilespmem:v8+s10+$0x0], $0xffff  }
0x27c: {  	[tilespmem:s3+$0x80] =	vst v0  }
0x27d: {  	[tilespmem:s4+$0x80] =	vst v4  }
0x27e: {  	[tilespmem:s1+$0x80] =	vst v3  }
0x27f: {  	[tilespmem:s5+$0x80] =	vst v2  }
0x280: {  	[tilespmem:s23+$0x80] =	vst v1  }
0x281: {  	s24 =	simm.s32 $0xB000;
	s0 =	rddreg [dreg:$0x1a]  }
0x282: {  	[hbm4b:s0+s2] =	stream.strided.scatter [tilespmem:s24], [sflag:$0x6], $0x2000, s8, s2, $0x38;
	[tilespmem:$0x11000] =	vst v63  }
0x283: {  	_ =	swait.ge [sflag:s18], $0x2000  }
0x284: {  	[sflag:s18] =	ssyncset.done $0x0  }
0x285: {  	s25 =	simm.s32 $0x0;
	[sflag:s18] =	ssyncadd.s32 $0xFFFFE000  }
0x286: {  	s26 =	sand.u32 $0x60, s25;
	_ =	swait.ge [sflag:s7], $0x2000  }
0x287: {  	s19 =	sand.u32 $0xF80, s25;
	s29 =	sor.u32 $0x10, s26;
	[sflag:s7] =	ssyncset.done $0x0  }
0x288: {  	s1 =	sor.u32 s29, s19;
	[sflag:s7] =	ssyncadd.s32 $0xFFFFE000  }
0x289: {  	v0 =	vld [tilespmem:s1+$0x0]  }
0x28a: {  	s20 =	simm.s32 $0x20  }
0x28b: {  	s3 =	sand.u32 $0x60, s20;
	v1 =	vld [tilespmem:s25+$0x0]  }
0x28c: {  	s21 =	sand.u32 $0xF80, s20;
	s17 =	sor.u32 $0x10, s3  }
0x28d: {  	s22 =	sor.u32 s17, s21;
	v2 =	vld [tilespmem:s20+$0x0]  }
0x28e: {  	v4 =	vld [tilespmem:s22+$0x0];
	v3 =	vshll.u32 v0, $0x1  }
0x28f: {  	v0 =	vand.u32 $0x7F, v0;
	v3 =	vand.u32 $0xFFFFFF00, v3  }
0x290: {  	s23 =	simm.s32 $0x40;
	v3 =	vor.u32 v0, v3;
	v0 =	vshll.u32 v1, $0x1  }
0x291: {  	s1 =	sand.u32 $0x60, s23;
	v1 =	vand.u32 $0x7F, v1;
	v0 =	vand.u32 $0xFFFFFF00, v0  }
0x292: {  	s24 =	sand.u32 $0xF80, s23;
	s4 =	sor.u32 $0x10, s1;
	v1 =	vor.u32 v1, v0;
	v0 =	vshll.u32 v2, $0x1  }
0x293: {  	s15 =	sor.u32 s4, s24;
	v5 =	vshll.u32 v4, $0x1;
	v2 =	vand.u32 $0x7F, v2;
	v0 =	vand.u32 $0xFFFFFF00, v0  }
0x294: {  	v0 =	vor.u32 v2, v0;
	v2 =	vand.u32 $0x7F, v4;
	v4 =	vand.u32 $0xFFFFFF00, v5;
	v5 =	vld [tilespmem:s15+$0x0]  }
0x295: {  	v6 =	vld.idx.msk [tilespmem:v3+s12+$0x0], $0xffff  }
0x296: {  	v2 =	vor.u32 v2, v4  }
0x297: {  	s0 =	sand.u32 $0x1F00, s25;
	v8 =	vld [tilespmem:s23+$0x0];
	v3 =	vor.u32 $0x80, v3  }
0x298: {  	s0 =	sadd.s32 $0xD000, s0;
	s20 =	simm.s32 $0x60;
	v9 =	vld.idx.msk [tilespmem:v1+s12+$0x0], $0xffff  }
0x299: {  	s19 =	sor.u32 s29, s0;
	v7 =	vld [tilespmem:s20+$0x0];
	v11 =	vor.u32 $0x80, v1  }
0x29a: {  	s5 =	sand.u32 $0x60, s20;
	v1 =	vld.idx.msk [tilespmem:v0+s12+$0x0], $0xffff;
	[tilespmem:s19+$0x0] =	vst v6;
	v6 =	vshll.u32 v5, $0x1  }
0x29b: {  	s25 =	sand.u32 $0xF80, s20;
	s15 =	sor.u32 $0x10, s5;
	v4 =	vld.idx.msk [tilespmem:v2+s12+$0x0], $0xffff;
	v6 =	vand.u32 $0xFFFFFF00, v6  }
0x29c: {  	s21 =	simm.s32 $0x40;
	s6 =	sor.u32 s26, s0;
	v10 =	vshll.u32 v8, $0x1;
	s26 =	sor.u32 s15, s25;
	v5 =	vand.u32 $0x7F, v5;
	v3 =	vld.idx.msk [tilespmem:v3+s12+$0x0], $0xffff  }
0x29d: {  	s29 =	sand.u32 $0x1F00, s21;
	v8 =	vand.u32 $0x7F, v8;
	v63 =	vand.u32 $0xFFFFFF00, v10;
	[tilespmem:s6+$0x0] =	vst v9;
	v9 =	vld [tilespmem:s26+$0x0];
	v10 =	vor.u32 v5, v6  }
0x29e: {  	s22 =	simm.s32 $0x6;
	s23 =	simm.s32 $0x80;
	s24 =	sadd.s32 $0xD000, s29;
	v8 =	vor.u32 v8, v63;
	v5 =	vor.u32 $0x80, v2;
	v2 =	vld.idx.msk [tilespmem:v11+s12+$0x0], $0xffff;
	v6 =	vmov v10  }
.LBB2_24:
0x29f: {  	s20 =	sadd.s32 $0x20, s20;
	s0 =	sor.u32 s3, s24  }
0x2a0: {  	v11 =	vld [tilespmem:s23+$0x0];
	v12 =	vor.u32 $0x80, v0;
	s14 =	sor.u32 s17, s24;
	v13 =	vmov v1;
	v0 =	vmov v8;
	s3 =	smov.u32 s1;
	s22 =	sadd.s32 $0x2, s22  }
0x2a1: {  	v14 =	vshll.u32 v7, $0x1;
	s1 =	smov.u32 s5;
	v1 =	vld.idx.msk [tilespmem:v8+s12+$0x0], $0xffff;
	[tilespmem:s14+$0x0] =	vst v4;
	s5 =	sand.u32 $0x60, s20;
	p0 =	slt.u32 s22, $0xFE  }
.Ltmp11:
0x2a2: {  	v7 =	vand.u32 $0x7F, v7;
	s17 =	sand.u32 $0xF80, s20;
	v8 =	vand.u32 $0xFFFFFF00, v14;
	s24 =	sor.u32 $0x10, s5;
	v14 =	vshll.u32 v9, $0x1;
	v4 =	vld.idx.msk [tilespmem:v10+s12+$0x0], $0xffff;
	[tilespmem:s19+$0x80] =	vst v3;
	(pc) =	sbr.rel @p0 .LBB2_24-.Ltmp11, $4  }
0x2a3: {  	v8 =	vor.u32 v7, v8;
	v15 =	vand.u32 $0x7F, v9;
	s19 =	smov.u32 s14;
	s17 =	sor.u32 s24, s17;
	v10 =	vand.u32 $0xFFFFFF00, v14;
	[tilespmem:s0+$0x0] =	vst v13;
	v3 =	vld.idx.msk [tilespmem:v5+s12+$0x0], $0xffff  }
0x2a4: {  	s21 =	sadd.s32 $0x40, s21;
	v9 =	vld [tilespmem:s17+$0x0];
	v10 =	vor.u32 v15, v10;
	[tilespmem:s6+$0x80] =	vst v2;
	s6 =	smov.u32 s0;
	s17 =	smov.u32 s4  }
0x2a5: {  	v5 =	vor.u32 $0x80, v6;
	s0 =	sand.u32 $0x1F00, s21;
	s4 =	smov.u32 s15;
	s15 =	smov.u32 s24;
	v2 =	vld.idx.msk [tilespmem:v12+s12+$0x0], $0xffff;
	v7 =	vmov v11;
	v6 =	vmov v10  }
0x2a6: {  	s23 =	sadd.s32 $0x20, s23;
	s24 =	sadd.s32 $0xD000, s0  }
0x2a7: {  	_ = 	snop  }
0x2a8: {  	v12 =	vshll.u32 v7, $0x1  }
0x2a9: {  	v7 =	vand.u32 $0x7F, v7;
	v12 =	vand.u32 $0xFFFFFF00, v12;
	v11 =	vshll.u32 v9, $0x1  }
0x2aa: {  	v9 =	vand.u32 $0x7F, v9;
	v7 =	vor.u32 v7, v12;
	v11 =	vand.u32 $0xFFFFFF00, v11  }
0x2ab: {  	v9 =	vor.u32 v9, v11  }
0x2ac: {  	s0 =	sor.u32 s17, s24  }
0x2ad: {  	v0 =	vor.u32 $0x80, v0;
	v10 =	vld.idx.msk [tilespmem:v10+s12+$0x0], $0xffff;
	[tilespmem:s0+$0x0] =	vst v4  }
0x2ae: {  	s14 =	sadd.s32 $0x40, s21;
	s3 =	sor.u32 s3, s24;
	v4 =	vor.u32 $0x80, v6;
	[tilespmem:s19+$0x80] =	vst v3;
	v11 =	vld.idx.msk [tilespmem:v8+s12+$0x0], $0xffff  }
0x2af: {  	s21 =	sand.u32 $0x1F00, s14;
	v3 =	vor.u32 $0x80, v8;
	[tilespmem:s3+$0x0] =	vst v1;
	v1 =	vld.idx.msk [tilespmem:v7+s12+$0x0], $0xffff  }
0x2b0: {  	s14 =	sadd.s32 $0x40, s14;
	s17 =	sadd.s32 $0xD000, s21;
	[tilespmem:s6+$0x80] =	vst v2;
	v2 =	vor.u32 $0x80, v7;
	v6 =	vld.idx.msk [tilespmem:v9+s12+$0x0], $0xffff  }
0x2b1: {  	v5 =	vld.idx.msk [tilespmem:v5+s12+$0x0], $0xffff;
	s22 =	sand.u32 $0x1F00, s14;
	s4 =	sor.u32 s4, s17;
	v8 =	vor.u32 $0x80, v9  }
0x2b2: {  	s1 =	sor.u32 s1, s17;
	s6 =	sadd.s32 $0xD000, s22;
	v0 =	vld.idx.msk [tilespmem:v0+s12+$0x0], $0xffff;
	[tilespmem:s4+$0x0] =	vst v10  }
0x2b3: {  	s5 =	sor.u32 s5, s6;
	v4 =	vld.idx.msk [tilespmem:v4+s12+$0x0], $0xffff;
	[tilespmem:s1+$0x0] =	vst v11  }
0x2b4: {  	s23 =	sor.u32 s15, s6;
	v3 =	vld.idx.msk [tilespmem:v3+s12+$0x0], $0xffff;
	[tilespmem:s5+$0x0] =	vst v1  }
0x2b5: {  	v2 =	vld.idx.msk [tilespmem:v2+s12+$0x0], $0xffff;
	[tilespmem:s23+$0x0] =	vst v6  }
0x2b6: {  	[tilespmem:s0+$0x80] =	vst v5;
	v1 =	vld.idx.msk [tilespmem:v8+s12+$0x0], $0xffff  }
0x2b7: {  	[tilespmem:s3+$0x80] =	vst v0  }
0x2b8: {  	[tilespmem:s4+$0x80] =	vst v4  }
0x2b9: {  	[tilespmem:s1+$0x80] =	vst v3  }
0x2ba: {  	[tilespmem:s5+$0x80] =	vst v2  }
0x2bb: {  	[tilespmem:s23+$0x80] =	vst v1  }
0x2bc: {  	s24 =	simm.s32 $0xD000;
	s0 =	rddreg [dreg:$0x1b]  }
0x2bd: {  	[hbm4b:s0+s2] =	stream.strided.scatter [tilespmem:s24], [sflag:$0x7], $0x2000, s8, s2, $0x38;
	[tilespmem:$0x11000] =	vst v63  }
0x2be: {  	_ =	swait.ge [sflag:s28], $0x2000  }
0x2bf: {  	[sflag:s28] =	ssyncset.done $0x0  }
0x2c0: {  	s25 =	simm.s32 $0x0;
	[sflag:s28] =	ssyncadd.s32 $0xFFFFE000  }
0x2c1: {  	s26 =	sand.u32 $0x60, s25;
	_ =	swait.ge [sflag:s11], $0x2000  }
0x2c2: {  	s19 =	sand.u32 $0xF80, s25;
	s29 =	sor.u32 $0x10, s26;
	[sflag:s11] =	ssyncset.done $0x0  }
0x2c3: {  	s1 =	sor.u32 s29, s19;
	[sflag:s11] =	ssyncadd.s32 $0xFFFFE000  }
0x2c4: {  	v0 =	vld [tilespmem:s1+$0x0]  }
0x2c5: {  	s20 =	simm.s32 $0x20  }
0x2c6: {  	s3 =	sand.u32 $0x60, s20;
	v1 =	vld [tilespmem:s25+$0x0]  }
0x2c7: {  	s21 =	sand.u32 $0xF80, s20;
	s17 =	sor.u32 $0x10, s3  }
0x2c8: {  	s22 =	sor.u32 s17, s21;
	v2 =	vld [tilespmem:s20+$0x0]  }
0x2c9: {  	v4 =	vld [tilespmem:s22+$0x0];
	v3 =	vshll.u32 v0, $0x1  }
0x2ca: {  	v0 =	vand.u32 $0x7F, v0;
	v3 =	vand.u32 $0xFFFFFF00, v3  }
0x2cb: {  	s23 =	simm.s32 $0x40;
	v3 =	vor.u32 v0, v3;
	v0 =	vshll.u32 v1, $0x1  }
0x2cc: {  	s1 =	sand.u32 $0x60, s23;
	v1 =	vand.u32 $0x7F, v1;
	v0 =	vand.u32 $0xFFFFFF00, v0  }
0x2cd: {  	s24 =	sand.u32 $0xF80, s23;
	s4 =	sor.u32 $0x10, s1;
	v1 =	vor.u32 v1, v0;
	v0 =	vshll.u32 v2, $0x1  }
0x2ce: {  	s15 =	sor.u32 s4, s24;
	v5 =	vshll.u32 v4, $0x1;
	v2 =	vand.u32 $0x7F, v2;
	v0 =	vand.u32 $0xFFFFFF00, v0  }
0x2cf: {  	v0 =	vor.u32 v2, v0;
	v2 =	vand.u32 $0x7F, v4;
	v4 =	vand.u32 $0xFFFFFF00, v5;
	v5 =	vld [tilespmem:s15+$0x0]  }
0x2d0: {  	v6 =	vld.idx.msk [tilespmem:v3+s13+$0x0], $0xffff  }
0x2d1: {  	v2 =	vor.u32 v2, v4  }
0x2d2: {  	s0 =	sand.u32 $0x1F00, s25;
	v8 =	vld [tilespmem:s23+$0x0];
	v3 =	vor.u32 $0x80, v3  }
0x2d3: {  	s0 =	sadd.s32 $0xF000, s0;
	s20 =	simm.s32 $0x60;
	v9 =	vld.idx.msk [tilespmem:v1+s13+$0x0], $0xffff  }
0x2d4: {  	s19 =	sor.u32 s29, s0;
	v7 =	vld [tilespmem:s20+$0x0];
	v11 =	vor.u32 $0x80, v1  }
0x2d5: {  	s5 =	sand.u32 $0x60, s20;
	v1 =	vld.idx.msk [tilespmem:v0+s13+$0x0], $0xffff;
	[tilespmem:s19+$0x0] =	vst v6;
	v6 =	vshll.u32 v5, $0x1  }
0x2d6: {  	s25 =	sand.u32 $0xF80, s20;
	s15 =	sor.u32 $0x10, s5;
	v4 =	vld.idx.msk [tilespmem:v2+s13+$0x0], $0xffff;
	v6 =	vand.u32 $0xFFFFFF00, v6  }
0x2d7: {  	s21 =	simm.s32 $0x40;
	s6 =	sor.u32 s26, s0;
	v10 =	vshll.u32 v8, $0x1;
	s26 =	sor.u32 s15, s25;
	v5 =	vand.u32 $0x7F, v5;
	v3 =	vld.idx.msk [tilespmem:v3+s13+$0x0], $0xffff  }
0x2d8: {  	s29 =	sand.u32 $0x1F00, s21;
	v8 =	vand.u32 $0x7F, v8;
	v63 =	vand.u32 $0xFFFFFF00, v10;
	[tilespmem:s6+$0x0] =	vst v9;
	v9 =	vld [tilespmem:s26+$0x0];
	v10 =	vor.u32 v5, v6  }
0x2d9: {  	s22 =	simm.s32 $0x6;
	s23 =	simm.s32 $0x80;
	s24 =	sadd.s32 $0xF000, s29;
	v8 =	vor.u32 v8, v63;
	v5 =	vor.u32 $0x80, v2;
	v2 =	vld.idx.msk [tilespmem:v11+s13+$0x0], $0xffff;
	v6 =	vmov v10  }
.LBB2_26:
0x2da: {  	s20 =	sadd.s32 $0x20, s20;
	s0 =	sor.u32 s3, s24  }
0x2db: {  	v11 =	vld [tilespmem:s23+$0x0];
	v12 =	vor.u32 $0x80, v0;
	s14 =	sor.u32 s17, s24;
	v13 =	vmov v1;
	v0 =	vmov v8;
	s3 =	smov.u32 s1;
	s22 =	sadd.s32 $0x2, s22  }
0x2dc: {  	v14 =	vshll.u32 v7, $0x1;
	s1 =	smov.u32 s5;
	v1 =	vld.idx.msk [tilespmem:v8+s13+$0x0], $0xffff;
	[tilespmem:s14+$0x0] =	vst v4;
	s5 =	sand.u32 $0x60, s20;
	p0 =	slt.u32 s22, $0xFE  }
.Ltmp12:
0x2dd: {  	v7 =	vand.u32 $0x7F, v7;
	s17 =	sand.u32 $0xF80, s20;
	v8 =	vand.u32 $0xFFFFFF00, v14;
	s24 =	sor.u32 $0x10, s5;
	v14 =	vshll.u32 v9, $0x1;
	v4 =	vld.idx.msk [tilespmem:v10+s13+$0x0], $0xffff;
	[tilespmem:s19+$0x80] =	vst v3;
	(pc) =	sbr.rel @p0 .LBB2_26-.Ltmp12, $4  }
0x2de: {  	v8 =	vor.u32 v7, v8;
	v15 =	vand.u32 $0x7F, v9;
	s19 =	smov.u32 s14;
	s17 =	sor.u32 s24, s17;
	v10 =	vand.u32 $0xFFFFFF00, v14;
	[tilespmem:s0+$0x0] =	vst v13;
	v3 =	vld.idx.msk [tilespmem:v5+s13+$0x0], $0xffff  }
0x2df: {  	s21 =	sadd.s32 $0x40, s21;
	v9 =	vld [tilespmem:s17+$0x0];
	v10 =	vor.u32 v15, v10;
	[tilespmem:s6+$0x80] =	vst v2;
	s6 =	smov.u32 s0;
	s17 =	smov.u32 s4  }
0x2e0: {  	v5 =	vor.u32 $0x80, v6;
	s0 =	sand.u32 $0x1F00, s21;
	s4 =	smov.u32 s15;
	s15 =	smov.u32 s24;
	v2 =	vld.idx.msk [tilespmem:v12+s13+$0x0], $0xffff;
	v7 =	vmov v11;
	v6 =	vmov v10  }
0x2e1: {  	s23 =	sadd.s32 $0x20, s23;
	s24 =	sadd.s32 $0xF000, s0  }
0x2e2: {  	_ = 	snop  }
0x2e3: {  	v12 =	vshll.u32 v7, $0x1  }
0x2e4: {  	v55 =	vand.u32 $0x7F, v7;
	v12 =	vand.u32 $0xFFFFFF00, v12;
	v11 =	vshll.u32 v9, $0x1  }
0x2e5: {  	v54 =	vand.u32 $0x7F, v9;
	v7 =	vor.u32 v55, v12;
	v11 =	vand.u32 $0xFFFFFF00, v11  }
0x2e6: {  	v9 =	vor.u32 v54, v11;
	_ =	sdelay $0x1  }
0x2e7: {  	v0 =	vor.u32 $0x80, v0;
	s0 =	sor.u32 s17, s24;
	v10 =	vld.idx.msk [tilespmem:v10+s13+$0x0], $0xffff  }
0x2e8: {  	v56 =	vld.idx.msk [tilespmem:v8+s13+$0x0], $0xffff;
	s14 =	sadd.s32 $0x40, s21;
	v57 =	vor.u32 $0x80, v6;
	[tilespmem:s0+$0x0] =	vst v4  }
0x2e9: {  	s3 =	sor.u32 s3, s24;
	v58 =	vor.u32 $0x80, v8;
	[tilespmem:s19+$0x80] =	vst v3;
	s22 =	sand.u32 $0x1F00, s14;
	v60 =	vld.idx.msk [tilespmem:v7+s13+$0x0], $0xffff  }
0x2ea: {  	[tilespmem:s3+$0x0] =	vst v1;
	s14 =	sadd.s32 $0x40, s14;
	s17 =	sadd.s32 $0xF000, s22;
	v62 =	vor.u32 $0x80, v7;
	v59 =	vld.idx.msk [tilespmem:v9+s13+$0x0], $0xffff  }
0x2eb: {  	v5 =	vld.idx.msk [tilespmem:v5+s13+$0x0], $0xffff;
	s23 =	sand.u32 $0x1F00, s14;
	[tilespmem:s6+$0x80] =	vst v2;
	s4 =	sor.u32 s4, s17;
	v61 =	vor.u32 $0x80, v9  }
0x2ec: {  	s1 =	sor.u32 s1, s17;
	s6 =	sadd.s32 $0xF000, s23;
	v0 =	vld.idx.msk [tilespmem:v0+s13+$0x0], $0xffff;
	[tilespmem:s4+$0x0] =	vst v10  }
0x2ed: {  	s5 =	sor.u32 s5, s6;
	[tilespmem:s1+$0x0] =	vst v56;
	v4 =	vld.idx.msk [tilespmem:v57+s13+$0x0], $0xffff  }
0x2ee: {  	s24 =	sor.u32 s15, s6;
	v3 =	vld.idx.msk [tilespmem:v58+s13+$0x0], $0xffff;
	[tilespmem:s5+$0x0] =	vst v60  }
0x2ef: {  	v2 =	vld.idx.msk [tilespmem:v62+s13+$0x0], $0xffff;
	[tilespmem:s24+$0x0] =	vst v59  }
0x2f0: {  	[tilespmem:s0+$0x80] =	vst v5;
	v63 =	vld.idx.msk [tilespmem:v61+s13+$0x0], $0xffff  }
0x2f1: {  	[tilespmem:s3+$0x80] =	vst v0  }
0x2f2: {  	[tilespmem:s4+$0x80] =	vst v4  }
0x2f3: {  	[tilespmem:s1+$0x80] =	vst v3  }
0x2f4: {  	[tilespmem:s5+$0x80] =	vst v2  }
0x2f5: {  	[tilespmem:s24+$0x80] =	vst v63  }
0x2f6: {  	s25 =	simm.s32 $0xF000;
	s0 =	rddreg [dreg:$0x1c]  }
0x2f7: {  	[hbm4b:s0+s2] =	stream.strided.scatter [tilespmem:s25], [sflag:$0x8], $0x2000, s8, s2, $0x38;
	[tilespmem:$0x11000] =	vst v63  }
0x2f8: {  	_ =	swait.ge [sflag:s30], $0x2000  }
0x2f9: {  	[sflag:s30] =	ssyncset.done $0x0  }
0x2fa: {  	[sflag:s30] =	ssyncadd.s32 $0xFFFFE000  }
0x2fb: {  	_ =	swait.ge [sflag:s31], $0x2000  }
0x2fc: {  	[sflag:s31] =	ssyncset.done $0x0  }
0x2fd: {  	[sflag:s31] =	ssyncadd.s32 $0xFFFFE000  }
0x2fe: {  	_ =	swait.ge [sflag:s7], $0x2000  }
0x2ff: {  	[sflag:s7] =	ssyncset.done $0x0  }
0x300: {  	[sflag:s7] =	ssyncadd.s32 $0xFFFFE000  }
0x301: {  	_ =	swait.ge [sflag:s11], $0x2000  }
0x302: {  	s26 =	rddreg [dreg:$0x1e]  }
0x303: {  	s29 =	rddreg [dreg:$0x17];
	s1 =	sadd.s32 $0x1, s26  }
0x304: {  	p0 =	sne.s32 s1, s29  }
.Ltmp13:
0x305: {  	_ = 	snop;
	(pc) =	sbr.rel @p0 .LBB2_1-.Ltmp13, $3  }
0x306: {  	_ =	sdelay $0x1  }
0x307: {  	[sflag:s11] =	ssyncset.done $0x0  }
0x308: {  	[sflag:s11] =	ssyncadd.s32 $0xFFFFE000  }
0x309: {  	_ =	sfence.sel $0x180000  }
0x30a: {  	[bflag:$0x0] =	sbarrier.arrive $0xFFFF  }
0x30b: {  	_ =	strace $0x90000047  }
0x30c: {  	s0 =	stileid.u32;
	[bflag:$0x2] =	sbarrier.arrive $0xFFFF  }
0x30d: {  	p0 =	sne.s32 s0, $0x0;
	s0 =	rddreg [dreg:$0x3]  }
0x30e: {  	s0 =	sadd.s32 @!p0 $0x100000, s0  }
0x30f: {  	[sflag:s0] =	ssyncadd.tile.s32 @!p0 $0x1;
	_ =	shalt  }
.Lfunc_end2:
_tile_overlayer_lowered:
.L_overlay_start_2:
0x310: {  	(tag) =	ssettag $0x2  }
0x311: {  	s0 =	rddreg [dreg:$0x0];
	s2 =	stileid.u32  }
0x312: {  	s1 =	rddreg [dreg:$0x1];
	p0 =	sne.s32 s2, $0x0  }
0x313: {  	s3 =	rddreg [dreg:$0x2];
	[bflag:$0x3] =	sbarrier.arrive $0xFFFF;
	s2 =	simm.s32 @!p0 $0x1C09  }
0x314: {  	[timem:s3], [sflag:s2] =	dma.local @!p0 [hbm:s0], s1  }
0x315: {  	s0 =	simm.s32 @!p0 $0x9  }
0x316: {  	_ =	swait.ge @!p0 [sflag:s0], s1  }
0x317: {  	s1 =	ssub.s32 @!p0 $0x0, s1;
	[sflag:s0] =	ssyncset.done @!p0 $0x0  }
0x318: {  	[sflag:s0] =	ssyncadd.s32 @!p0 s1  }
0x319: {  	[bflag:$0x3] =	sbarrier.arrive $0xFFFF  }
0x31a: {  	_ =	shalt  }

</sc_bundles>
